<compile_context>
chip_gen: v7x
topology: tpu7x:2x2x1
jax: 0.10.2.dev20260603
libtpu: 0.0.44.dev20260713+nightly
codegen_flags: <defaults>
</compile_context>

<pallas_src>
import functools

import jax
import jax.numpy as jnp
from jax import lax
from jax.experimental import pallas as pl
from jax.experimental.pallas import tpu as pltpu
from jax.experimental.pallas import tpu_sc as plsc

N = 10000
IN_DIM = 128
H = 4
C = 16
OUT = H * C
G = 64
HID = 128

NC, NS = 2, 16
N_PAD = 10240
E = 320000
E_PAD = 327680
EDGES_PER_TILE = E_PAD // (NC * NS)
CHUNK = 128
CHUNKS = EDGES_PER_TILE // CHUNK
GRP = 8
NGRP = CHUNKS // GRP
ROWS_PER_TILE = N_PAD // NS

ROW_BLK = 512
POOL_BLK = 400


def _prep_body(x_ref, w_ref, as_ref, ad_ref, t_ref, dexp_ref, init_ref):
    h = jnp.dot(x_ref[...], w_ref[...], preferred_element_type=jnp.float32)
    s_exp = jnp.dot(h, as_ref[...], preferred_element_type=jnp.float32)
    d_exp = jnp.dot(h, ad_ref[...], preferred_element_type=jnp.float32)
    e = s_exp + d_exp
    w_self = jnp.exp(jnp.where(e >= 0.0, e, 0.2 * e))
    t_ref[:, :OUT] = h
    t_ref[:, OUT:] = s_exp
    dexp_ref[:, :OUT] = d_exp
    dexp_ref[:, OUT:] = jnp.zeros_like(d_exp)
    init_ref[:, :OUT] = 0.5 * w_self * h
    init_ref[:, OUT:] = 0.5 * w_self


_prep_call = pl.pallas_call(
    _prep_body,
    grid=(N_PAD // ROW_BLK,),
    in_specs=[
        pl.BlockSpec((ROW_BLK, IN_DIM), lambda i: (i, 0)),
        pl.BlockSpec((IN_DIM, OUT), lambda i: (0, 0)),
        pl.BlockSpec((OUT, OUT), lambda i: (0, 0)),
        pl.BlockSpec((OUT, OUT), lambda i: (0, 0)),
    ],
    out_specs=[
        pl.BlockSpec((ROW_BLK, 2 * OUT), lambda i: (i, 0)),
        pl.BlockSpec((ROW_BLK, 2 * OUT), lambda i: (i, 0)),
        pl.BlockSpec((ROW_BLK, 2 * OUT), lambda i: (i, 0)),
    ],
    out_shape=[
        jax.ShapeDtypeStruct((N_PAD, 2 * OUT), jnp.float32),
        jax.ShapeDtypeStruct((N_PAD, 2 * OUT), jnp.float32),
        jax.ShapeDtypeStruct((N_PAD, 2 * OUT), jnp.float32),
    ],
)


@functools.partial(
    pl.kernel,
    out_type=jax.ShapeDtypeStruct((NC, N_PAD, 2 * OUT), jnp.float32),
    mesh=plsc.VectorSubcoreMesh(core_axis_name="c", subcore_axis_name="s"),
    scratch_types=[
        pltpu.VMEM((GRP, CHUNK), jnp.int32),
        pltpu.VMEM((GRP, CHUNK), jnp.int32),
        pltpu.VMEM((CHUNK, 2 * OUT), jnp.float32),
        pltpu.VMEM((CHUNK, 2 * OUT), jnp.float32),
        pltpu.VMEM_SHARED((N_PAD, 2 * OUT), jnp.float32),
        pltpu.SemaphoreType.DMA,
        pltpu.SemaphoreType.DMA,
    ],
)
def _edge_kernel(t_hbm, dexp_hbm, src_hbm, dst_hbm, init_hbm, out_hbm,
                 src_v, dst_v, rows_v, drows_v, acc_sh, sem1, sem2):
    c = lax.axis_index("c")
    s = lax.axis_index("s")
    wid = s * NC + c
    row0 = s * ROWS_PER_TILE

    pltpu.sync_copy(init_hbm.at[pl.ds(row0, ROWS_PER_TILE)],
                    acc_sh.at[pl.ds(row0, ROWS_PER_TILE)])

    chunk0 = wid * CHUNKS
    plsc.subcore_barrier()

    def grp_body(g, carry0):
        pltpu.sync_copy(src_hbm.at[pl.ds(chunk0 + g * GRP, GRP)], src_v)
        pltpu.sync_copy(dst_hbm.at[pl.ds(chunk0 + g * GRP, GRP)], dst_v)

        def chunk_body(j, carry):
            g1 = pltpu.async_copy(t_hbm.at[src_v.at[j]], rows_v, sem1)
            g2 = pltpu.async_copy(dexp_hbm.at[dst_v.at[j]], drows_v, sem2)
            g1.wait()
            g2.wait()

            def edge_body(k, carry2):
                for q in range(H):
                    sv = rows_v[k, pl.ds(OUT + q * 16, 16)]
                    dv = drows_v[k, pl.ds(q * 16, 16)]
                    e = sv + dv
                    w = jnp.exp(jnp.where(e >= 0.0, e, 0.2 * e))
                    rows_v[k, pl.ds(OUT + q * 16, 16)] = w
                    hv = rows_v[k, pl.ds(q * 16, 16)]
                    rows_v[k, pl.ds(q * 16, 16)] = hv * w
                return carry2

            lax.fori_loop(0, CHUNK, edge_body, 0)
            pltpu.sync_copy(rows_v, acc_sh.at[dst_v.at[j]], add=True)
            return carry

        lax.fori_loop(0, GRP, chunk_body, 0)
        return carry0

    lax.fori_loop(0, NGRP, grp_body, 0)
    plsc.subcore_barrier()
    pltpu.sync_copy(acc_sh.at[pl.ds(row0, ROWS_PER_TILE)],
                    out_hbm.at[c, pl.ds(row0, ROWS_PER_TILE)])


def _pool_body(acc_ref, bias_ref, b_ref, emb_ref, sums_ref, cnt_ref):
    i = pl.program_id(0)
    acc = acc_ref[0] + acc_ref[1]
    gat = acc[:, :OUT] / acc[:, OUT:] + bias_ref[...]
    emb = jnp.where(gat > 0.0, gat, jnp.exp(jnp.minimum(gat, 0.0)) - 1.0)
    emb_ref[...] = emb
    iota = lax.broadcasted_iota(jnp.int32, (1, G), 1)
    onehot = (b_ref[...] == iota).astype(jnp.float32)
    psums = lax.dot_general(onehot, emb, (((0,), (0,)), ((), ())),
                            preferred_element_type=jnp.float32)
    pcnt = lax.dot_general(onehot, jnp.ones((POOL_BLK, 1), jnp.float32),
                           (((0,), (0,)), ((), ())),
                           preferred_element_type=jnp.float32)

    @pl.when(i == 0)
    def _init():
        sums_ref[...] = psums
        cnt_ref[...] = pcnt

    @pl.when(i > 0)
    def _accum():
        sums_ref[...] += psums
        cnt_ref[...] += pcnt


_pool_call = pl.pallas_call(
    _pool_body,
    grid=(N // POOL_BLK,),
    in_specs=[
        pl.BlockSpec((NC, POOL_BLK, 2 * OUT), lambda i: (0, i, 0)),
        pl.BlockSpec((1, OUT), lambda i: (0, 0)),
        pl.BlockSpec((POOL_BLK, 1), lambda i: (i, 0)),
    ],
    out_specs=[
        pl.BlockSpec((POOL_BLK, OUT), lambda i: (i, 0)),
        pl.BlockSpec((G, OUT), lambda i: (0, 0)),
        pl.BlockSpec((G, 1), lambda i: (0, 0)),
    ],
    out_shape=[
        jax.ShapeDtypeStruct((N, OUT), jnp.float32),
        jax.ShapeDtypeStruct((G, OUT), jnp.float32),
        jax.ShapeDtypeStruct((G, 1), jnp.float32),
    ],
)


def _dec_body(emb_ref, b_ref, sums_ref, cnt_ref, w1a_ref, w1b_ref, b1_ref,
              w2_ref, b2_ref, scores_ref, ge_ref):
    ge = sums_ref[...] / jnp.maximum(cnt_ref[...], 1.0)

    @pl.when(pl.program_id(0) == 0)
    def _write_ge():
        ge_ref[...] = ge

    iota = lax.broadcasted_iota(jnp.int32, (1, G), 1)
    onehot = (b_ref[...] == iota).astype(jnp.float32)
    gexp = jnp.dot(onehot, ge, preferred_element_type=jnp.float32)
    hid = jnp.dot(emb_ref[...], w1a_ref[...], preferred_element_type=jnp.float32)
    hid += jnp.dot(gexp, w1b_ref[...], preferred_element_type=jnp.float32)
    hid = jnp.maximum(hid + b1_ref[...], 0.0)
    scores_ref[...] = jnp.dot(hid, w2_ref[...],
                              preferred_element_type=jnp.float32) + b2_ref[...]


_dec_call = pl.pallas_call(
    _dec_body,
    grid=(N // POOL_BLK,),
    in_specs=[
        pl.BlockSpec((POOL_BLK, OUT), lambda i: (i, 0)),
        pl.BlockSpec((POOL_BLK, 1), lambda i: (i, 0)),
        pl.BlockSpec((G, OUT), lambda i: (0, 0)),
        pl.BlockSpec((G, 1), lambda i: (0, 0)),
        pl.BlockSpec((OUT, HID), lambda i: (0, 0)),
        pl.BlockSpec((G, HID), lambda i: (0, 0)),
        pl.BlockSpec((1, HID), lambda i: (0, 0)),
        pl.BlockSpec((HID, 1), lambda i: (0, 0)),
        pl.BlockSpec((1, 1), lambda i: (0, 0)),
    ],
    out_specs=[
        pl.BlockSpec((POOL_BLK, 1), lambda i: (i, 0)),
        pl.BlockSpec((G, OUT), lambda i: (0, 0)),
    ],
    out_shape=[
        jax.ShapeDtypeStruct((N, 1), jnp.float32),
        jax.ShapeDtypeStruct((G, OUT), jnp.float32),
    ],
)


def kernel(op_features, edge_index, batch_index, W, a_src, a_dst, bias,
           W1, b1, W2, b2):
    x = jnp.pad(op_features, ((0, N_PAD - N), (0, 0)))
    blk_mask = jnp.kron(jnp.eye(H, dtype=jnp.float32),
                        jnp.ones((C, C), jnp.float32))
    A_s = a_src.reshape(OUT, 1) * blk_mask
    A_d = a_dst.reshape(OUT, 1) * blk_mask
    pad_idx = jnp.full((E_PAD - E,), N, jnp.int32)
    src2d = jnp.concatenate([edge_index[0], pad_idx]).reshape(E_PAD // CHUNK,
                                                              CHUNK)
    dst2d = jnp.concatenate([edge_index[1], pad_idx]).reshape(E_PAD // CHUNK,
                                                              CHUNK)
    b_col = batch_index.reshape(N, 1)

    t_tab, dexp_tab, init_half = _prep_call(x, W, A_s, A_d)

    acc2 = _edge_kernel(t_tab, dexp_tab, src2d, dst2d, init_half)
    acc2 = acc2[:, :N, :]

    emb, sums, cnt = _pool_call(acc2, bias.reshape(1, OUT), b_col)
    scores, ge = _dec_call(emb, b_col, sums, cnt, W1[:OUT], W1[OUT:],
                           b1.reshape(1, HID), W2, b2.reshape(1, 1))
    return scores.reshape(N), ge

# --- scband reference (transcript-rebuilt; emitter-appended) ---
"""Pipeline reference for scband-actor-77068893159548 (READ-ONLY COPY).

The authoritative reference and input builder live on the scoring server;
editing this copy changes nothing except your own understanding.
"""

import jax, jax.numpy as jnp
import numpy as np

N = 10000
E = 320000
IN_DIM = 128
H = 4
C = 16
OUT = H * C  # 64
GED = 64     # graph_embedding_dim
G = 64       # number of graphs in batch
HID = 128


def setup_inputs(seed: int = 0) -> dict:
    key = jax.random.key(seed)
    ks = jax.random.split(key, 12)
    op_features = jax.random.normal(ks[0], (N, IN_DIM), dtype=jnp.float32)
    edge_index = jax.random.randint(ks[1], (2, E), 0, N).astype(jnp.int32)
    batch_index = jnp.sort(jax.random.randint(ks[2], (N,), 0, G)).astype(jnp.int32)
    # GATConv params
    W = jax.random.normal(ks[3], (IN_DIM, OUT), dtype=jnp.float32) * (1.0 / np.sqrt(IN_DIM))
    a_src = jax.random.normal(ks[4], (H, C), dtype=jnp.float32) * (1.0 / np.sqrt(C))
    a_dst = jax.random.normal(ks[5], (H, C), dtype=jnp.float32) * (1.0 / np.sqrt(C))
    bias = jnp.zeros((OUT,), dtype=jnp.float32)
    # decoder params: Linear(OUT+GED -> 128) -> ReLU -> Linear(128 -> 1)
    W1 = jax.random.normal(ks[6], (OUT + GED, HID), dtype=jnp.float32) * (1.0 / np.sqrt(OUT + GED))
    b1 = jnp.zeros((HID,), dtype=jnp.float32)
    W2 = jax.random.normal(ks[7], (HID, 1), dtype=jnp.float32) * (1.0 / np.sqrt(HID))
    b2 = jnp.zeros((1,), dtype=jnp.float32)
    return {"op_features": op_features, "edge_index": edge_index, "batch_index": batch_index,
            "W": W, "a_src": a_src, "a_dst": a_dst, "bias": bias,
            "W1": W1, "b1": b1, "W2": W2, "b2": b2}


def _gat_conv(x, src, dst, W, a_src, a_dst, bias):
    # PyG GATConv (eval mode, add_self_loops=True, concat heads)
    loops = jnp.arange(N, dtype=src.dtype)
    src = jnp.concatenate([src, loops])
    dst = jnp.concatenate([dst, loops])
    h = (x @ W).reshape(N, H, C)
    a_s = (h * a_src[None, :, :]).sum(-1)  # [N, H]
    a_d = (h * a_dst[None, :, :]).sum(-1)  # [N, H]
    e = a_s[src] + a_d[dst]                # [E+N, H]
    e = jax.nn.leaky_relu(e, 0.2)
    emax = jax.ops.segment_max(e, dst, num_segments=N)
    emax = jnp.where(jnp.isfinite(emax), emax, 0.0)
    ex = jnp.exp(e - emax[dst])
    esum = jax.ops.segment_sum(ex, dst, num_segments=N)
    alpha = ex / (esum[dst] + 1e-16)       # [E+N, H]
    msg = h[src] * alpha[:, :, None]       # [E+N, H, C]
    out = jax.ops.segment_sum(msg, dst, num_segments=N).reshape(N, OUT)
    return out + bias


def reference(op_features, edge_index, batch_index, W, a_src, a_dst, bias, W1, b1, W2, b2):
    src, dst = edge_index[0], edge_index[1]
    op_embedding = jax.nn.elu(_gat_conv(op_features, src, dst, W, a_src, a_dst, bias))
    # global_mean_pool
    sums = jax.ops.segment_sum(op_embedding, batch_index, num_segments=G)
    counts = jax.ops.segment_sum(jnp.ones((N, 1), dtype=jnp.float32), batch_index, num_segments=G)
    graph_embedding = sums / jnp.maximum(counts, 1.0)
    graph_embedding_expanded = graph_embedding[batch_index]
    combined = jnp.concatenate([op_embedding, graph_embedding_expanded], axis=1)
    hid = jax.nn.relu(combined @ W1 + b1)
    scores = (hid @ W2 + b2).squeeze(-1)
    return (scores, graph_embedding)

if __name__ == "__main__":
    import jax
    _d = setup_inputs()
    print(jax.jit(kernel)(*tuple(_d.values())))

</pallas_src>

<mosaic_0001>
#map = affine_map<(d0, d1) -> (0, 0)>
#map1 = affine_map<(d0, d1) -> (0, 0, 0)>
module attributes {stable_mosaic.version = 14 : i64} {
  func.func @_edge_kernel(%arg0: i32, %arg1: i32, %arg2: memref<10240x128xf32, #tpu.memory_space<hbm>>, %arg3: memref<10240x128xf32, #tpu.memory_space<hbm>>, %arg4: memref<2560x128xi32, #tpu.memory_space<hbm>>, %arg5: memref<2560x128xi32, #tpu.memory_space<hbm>>, %arg6: memref<10240x128xf32, #tpu.memory_space<hbm>>, %arg7: memref<2x10240x128xf32, #tpu.memory_space<hbm>>, %arg8: memref<8x128xi32, #tpu.memory_space<vmem>>, %arg9: memref<8x128xi32, #tpu.memory_space<vmem>>, %arg10: memref<128x128xf32, #tpu.memory_space<vmem>>, %arg11: memref<128x128xf32, #tpu.memory_space<vmem>>, %arg12: memref<10240x128xf32, #tpu.memory_space<vmem_shared>>, %arg13: memref<!tpu.dma_semaphore, #tpu.memory_space<semaphore_mem>>, %arg14: memref<!tpu.dma_semaphore, #tpu.memory_space<semaphore_mem>>) attributes {dimension_semantics = [#tpu.dimension_semantics<core_parallel>, #tpu.dimension_semantics<subcore_parallel>], iteration_bounds = array<i64: 2, 16>, scalar_prefetch = 0 : i64, scratch_operands = 7 : i64, tpu.core_type = #tpu.core_type<sc_vector_subcore>, window_params = [{transform_indices = #map}, {transform_indices = #map}, {transform_indices = #map}, {transform_indices = #map}, {transform_indices = #map}, {transform_indices = #map1}]} {
    %mul3A = arith.constant 2 : i32
    %mul3A_0 = arith.muli %arg1, %mul3A : i32
    %add3A = arith.addi %mul3A_0, %arg0 : i32
    %mul3A_1 = arith.constant 640 : i32
    %mul3A_2 = arith.muli %arg1, %mul3A_1 : i32
    "tpu.region"() ({
      %run_scoped3A = tpu.sem_alloc : memref<!tpu.dma_semaphore, #tpu.memory_space<semaphore_mem>>
      %dma_start3A = arith.constant 0 : i32
      %dma_start3A_11 = tpu.memref_slice %arg12[%mul3A_2, %dma_start3A] : memref<10240x128xf32, #tpu.memory_space<vmem_shared>> -> memref<640x128xf32, #tpu.memory_space<vmem_shared>>
      %dma_start3A_12 = arith.constant 0 : i32
      %dma_start3A_13 = tpu.memref_slice %arg6[%mul3A_2, %dma_start3A_12] : memref<10240x128xf32, #tpu.memory_space<hbm>> -> memref<640x128xf32, #tpu.memory_space<hbm>>
      tpu.enqueue_dma source(%dma_start3A_13 : memref<640x128xf32, #tpu.memory_space<hbm>>) target(%dma_start3A_11 : memref<640x128xf32, #tpu.memory_space<vmem_shared>>) target_semaphore(%run_scoped3A : memref<!tpu.dma_semaphore, #tpu.memory_space<semaphore_mem>>)
      %dma_wait3A = arith.constant 0 : i32
      %dma_wait3A_14 = tpu.memref_slice %arg12[%mul3A_2, %dma_wait3A] : memref<10240x128xf32, #tpu.memory_space<vmem_shared>> -> memref<640x128xf32, #tpu.memory_space<vmem_shared>>
      %dma_wait3A_15 = arith.constant 0 : i32
      %dma_wait3A_16 = tpu.memref_slice %arg6[%mul3A_2, %dma_wait3A_15] : memref<10240x128xf32, #tpu.memory_space<hbm>> -> memref<640x128xf32, #tpu.memory_space<hbm>>
      tpu.wait_dma2 semaphore(%run_scoped3A : memref<!tpu.dma_semaphore, #tpu.memory_space<semaphore_mem>>) src(%dma_wait3A_16 : memref<640x128xf32, #tpu.memory_space<hbm>>) dst(%dma_wait3A_14 : memref<640x128xf32, #tpu.memory_space<vmem_shared>>)
      tpu.yield
    }) : () -> ()
    %mul3A_3 = arith.constant 80 : i32
    %mul3A_4 = arith.muli %add3A, %mul3A_3 : i32
    %barrier3A = arith.constant 0 : index
    tpu.barrier barrier_id(%barrier3A)
    %scan3A = arith.constant 0 : i32
    %scan3A_5 = arith.constant 0 : i32
    %scan3A_6 = arith.constant 10 : i32
    %scan3A_7 = arith.addi %scan3A_5, %scan3A_6 : i32
    %scan3A_8 = arith.constant 1 : i32
    scf.for %scan3A_11 = %scan3A_5 to %scan3A_7 step %scan3A_8  : i32 {
      %mul3A_12 = arith.constant 8 : i32
      %mul3A_13 = arith.muli %scan3A_11, %mul3A_12 : i32
      %add3A_14 = arith.addi %mul3A_4, %mul3A_13 : i32
      "tpu.region"() ({
        %run_scoped3A = tpu.sem_alloc : memref<!tpu.dma_semaphore, #tpu.memory_space<semaphore_mem>>
        %dma_start3A = arith.constant 0 : i32
        %dma_start3A_24 = tpu.memref_slice %arg4[%add3A_14, %dma_start3A] : memref<2560x128xi32, #tpu.memory_space<hbm>> -> memref<8x128xi32, #tpu.memory_space<hbm>>
        %dma_start3A_25 = arith.constant 0 : i32
        %dma_start3A_26 = tpu.memref_slice %arg4[%add3A_14, %dma_start3A_25] : memref<2560x128xi32, #tpu.memory_space<hbm>> -> memref<8x128xi32, #tpu.memory_space<hbm>>
        tpu.enqueue_dma source(%dma_start3A_26 : memref<8x128xi32, #tpu.memory_space<hbm>>) target(%arg8 : memref<8x128xi32, #tpu.memory_space<vmem>>) target_semaphore(%run_scoped3A : memref<!tpu.dma_semaphore, #tpu.memory_space<semaphore_mem>>)
        %dma_wait3A = arith.constant 0 : i32
        %dma_wait3A_27 = tpu.memref_slice %arg4[%add3A_14, %dma_wait3A] : memref<2560x128xi32, #tpu.memory_space<hbm>> -> memref<8x128xi32, #tpu.memory_space<hbm>>
        %dma_wait3A_28 = arith.constant 0 : i32
        %dma_wait3A_29 = tpu.memref_slice %arg4[%add3A_14, %dma_wait3A_28] : memref<2560x128xi32, #tpu.memory_space<hbm>> -> memref<8x128xi32, #tpu.memory_space<hbm>>
        tpu.wait_dma2 semaphore(%run_scoped3A : memref<!tpu.dma_semaphore, #tpu.memory_space<semaphore_mem>>) src(%dma_wait3A_29 : memref<8x128xi32, #tpu.memory_space<hbm>>) dst(%arg8 : memref<8x128xi32, #tpu.memory_space<vmem>>)
        tpu.yield
      }) : () -> ()
      %mul3A_15 = arith.constant 8 : i32
      %mul3A_16 = arith.muli %scan3A_11, %mul3A_15 : i32
      %add3A_17 = arith.addi %mul3A_4, %mul3A_16 : i32
      "tpu.region"() ({
        %run_scoped3A = tpu.sem_alloc : memref<!tpu.dma_semaphore, #tpu.memory_space<semaphore_mem>>
        %dma_start3A = arith.constant 0 : i32
        %dma_start3A_24 = tpu.memref_slice %arg5[%add3A_17, %dma_start3A] : memref<2560x128xi32, #tpu.memory_space<hbm>> -> memref<8x128xi32, #tpu.memory_space<hbm>>
        %dma_start3A_25 = arith.constant 0 : i32
        %dma_start3A_26 = tpu.memref_slice %arg5[%add3A_17, %dma_start3A_25] : memref<2560x128xi32, #tpu.memory_space<hbm>> -> memref<8x128xi32, #tpu.memory_space<hbm>>
        tpu.enqueue_dma source(%dma_start3A_26 : memref<8x128xi32, #tpu.memory_space<hbm>>) target(%arg9 : memref<8x128xi32, #tpu.memory_space<vmem>>) target_semaphore(%run_scoped3A : memref<!tpu.dma_semaphore, #tpu.memory_space<semaphore_mem>>)
        %dma_wait3A = arith.constant 0 : i32
        %dma_wait3A_27 = tpu.memref_slice %arg5[%add3A_17, %dma_wait3A] : memref<2560x128xi32, #tpu.memory_space<hbm>> -> memref<8x128xi32, #tpu.memory_space<hbm>>
        %dma_wait3A_28 = arith.constant 0 : i32
        %dma_wait3A_29 = tpu.memref_slice %arg5[%add3A_17, %dma_wait3A_28] : memref<2560x128xi32, #tpu.memory_space<hbm>> -> memref<8x128xi32, #tpu.memory_space<hbm>>
        tpu.wait_dma2 semaphore(%run_scoped3A : memref<!tpu.dma_semaphore, #tpu.memory_space<semaphore_mem>>) src(%dma_wait3A_29 : memref<8x128xi32, #tpu.memory_space<hbm>>) dst(%arg9 : memref<8x128xi32, #tpu.memory_space<vmem>>)
        tpu.yield
      }) : () -> ()
      %scan3A_18 = arith.constant 0 : i32
      %scan3A_19 = arith.constant 0 : i32
      %scan3A_20 = arith.constant 8 : i32
      %scan3A_21 = arith.addi %scan3A_19, %scan3A_20 : i32
      %scan3A_22 = arith.constant 1 : i32
      scf.for %scan3A_24 = %scan3A_19 to %scan3A_21 step %scan3A_22  : i32 {
        %dma_start3A = arith.constant 0 : i32
        %dma_start3A_25 = tpu.memref_slice %arg8[%scan3A_24, %dma_start3A] : memref<8x128xi32, #tpu.memory_space<vmem>> -> memref<1x128xi32, #tpu.memory_space<vmem>>
        %dma_start3A_26 = tpu.memref_squeeze %dma_start3A_25 : memref<1x128xi32, #tpu.memory_space<vmem>> -> memref<128xi32, #tpu.memory_space<vmem>>
        %dma_start3A_27 = arith.constant 0 : i32
        %dma_start3A_28 = arith.constant 0 : i32
        %dma_start3A_29 = tpu.memref_slice %arg2[%dma_start3A_27, %dma_start3A_28] : memref<10240x128xf32, #tpu.memory_space<hbm>> -> memref<10240x128xf32, #tpu.memory_space<hbm>>
        tpu.enqueue_indirect_dma source(%dma_start3A_29 : memref<10240x128xf32, #tpu.memory_space<hbm>>) target(%arg10 : memref<128x128xf32, #tpu.memory_space<vmem>>) offsets(%dma_start3A_26 : memref<128xi32, #tpu.memory_space<vmem>>) semaphore(%arg13 : memref<!tpu.dma_semaphore, #tpu.memory_space<semaphore_mem>>)
        %dma_start3A_30 = arith.constant 0 : i32
        %dma_start3A_31 = tpu.memref_slice %arg9[%scan3A_24, %dma_start3A_30] : memref<8x128xi32, #tpu.memory_space<vmem>> -> memref<1x128xi32, #tpu.memory_space<vmem>>
        %dma_start3A_32 = tpu.memref_squeeze %dma_start3A_31 : memref<1x128xi32, #tpu.memory_space<vmem>> -> memref<128xi32, #tpu.memory_space<vmem>>
        %dma_start3A_33 = arith.constant 0 : i32
        %dma_start3A_34 = arith.constant 0 : i32
        %dma_start3A_35 = tpu.memref_slice %arg3[%dma_start3A_33, %dma_start3A_34] : memref<10240x128xf32, #tpu.memory_space<hbm>> -> memref<10240x128xf32, #tpu.memory_space<hbm>>
        tpu.enqueue_indirect_dma source(%dma_start3A_35 : memref<10240x128xf32, #tpu.memory_space<hbm>>) target(%arg11 : memref<128x128xf32, #tpu.memory_space<vmem>>) offsets(%dma_start3A_32 : memref<128xi32, #tpu.memory_space<vmem>>) semaphore(%arg14 : memref<!tpu.dma_semaphore, #tpu.memory_space<semaphore_mem>>)
        %dma_wait3A = arith.constant 0 : i32
        %dma_wait3A_36 = tpu.memref_slice %arg8[%scan3A_24, %dma_wait3A] : memref<8x128xi32, #tpu.memory_space<vmem>> -> memref<1x128xi32, #tpu.memory_space<vmem>>
        %dma_wait3A_37 = tpu.memref_squeeze %dma_wait3A_36 : memref<1x128xi32, #tpu.memory_space<vmem>> -> memref<128xi32, #tpu.memory_space<vmem>>
        %dma_wait3A_38 = arith.constant 0 : i32
        %dma_wait3A_39 = arith.constant 0 : i32
        %dma_wait3A_40 = tpu.memref_slice %arg2[%dma_wait3A_38, %dma_wait3A_39] : memref<10240x128xf32, #tpu.memory_space<hbm>> -> memref<10240x128xf32, #tpu.memory_space<hbm>>
        tpu.wait_indirect_dma semaphore(%arg13 : memref<!tpu.dma_semaphore, #tpu.memory_space<semaphore_mem>>) src(%dma_wait3A_40 : memref<10240x128xf32, #tpu.memory_space<hbm>>) dst(%arg10 : memref<128x128xf32, #tpu.memory_space<vmem>>)
        %dma_wait3A_41 = arith.constant 0 : i32
        %dma_wait3A_42 = tpu.memref_slice %arg9[%scan3A_24, %dma_wait3A_41] : memref<8x128xi32, #tpu.memory_space<vmem>> -> memref<1x128xi32, #tpu.memory_space<vmem>>
        %dma_wait3A_43 = tpu.memref_squeeze %dma_wait3A_42 : memref<1x128xi32, #tpu.memory_space<vmem>> -> memref<128xi32, #tpu.memory_space<vmem>>
        %dma_wait3A_44 = arith.constant 0 : i32
        %dma_wait3A_45 = arith.constant 0 : i32
        %dma_wait3A_46 = tpu.memref_slice %arg3[%dma_wait3A_44, %dma_wait3A_45] : memref<10240x128xf32, #tpu.memory_space<hbm>> -> memref<10240x128xf32, #tpu.memory_space<hbm>>
        tpu.wait_indirect_dma semaphore(%arg14 : memref<!tpu.dma_semaphore, #tpu.memory_space<semaphore_mem>>) src(%dma_wait3A_46 : memref<10240x128xf32, #tpu.memory_space<hbm>>) dst(%arg11 : memref<128x128xf32, #tpu.memory_space<vmem>>)
        %scan3A_47 = arith.constant 0 : i32
        %scan3A_48 = arith.constant 0 : i32
        %scan3A_49 = arith.constant 128 : i32
        %scan3A_50 = arith.addi %scan3A_48, %scan3A_49 : i32
        %scan3A_51 = arith.constant 1 : i32
        scf.for %scan3A_53 = %scan3A_48 to %scan3A_50 step %scan3A_51  : i32 {
          %get3A = arith.index_cast %scan3A_53 : i32 to index
          %get3A_54 = arith.constant 64 : index
          %get3A_55 = tpu.vector_load %arg10[%get3A, %get3A_54] {strides = array<i32>} : memref<128x128xf32, #tpu.memory_space<vmem>>, vector<1x16xf32>,
          %get3A_56 = vector.shape_cast %get3A_55 : vector<1x16xf32> to vector<16xf32>
          %get3A_57 = arith.index_cast %scan3A_53 : i32 to index
          %get3A_58 = arith.constant 0 : index
          %get3A_59 = tpu.vector_load %arg11[%get3A_57, %get3A_58] {strides = array<i32>} : memref<128x128xf32, #tpu.memory_space<vmem>>, vector<1x16xf32>,
          %get3A_60 = vector.shape_cast %get3A_59 : vector<1x16xf32> to vector<16xf32>
          %add3A_61 = arith.addf %get3A_56, %get3A_60 : vector<16xf32>
          %ge3A = arith.constant 0.000000e+00 : f32
          %ge3A_62 = vector.broadcast %ge3A : f32 to vector<16xf32>
          %ge3A_63 = arith.cmpf oge, %add3A_61, %ge3A_62 : vector<16xf32>
          %mul3A_64 = arith.constant 2.000000e-01 : f32
          %mul3A_65 = vector.broadcast %mul3A_64 : f32 to vector<16xf32>
          %mul3A_66 = arith.mulf %mul3A_65, %add3A_61 : vector<16xf32>
          %select_n3A = arith.select %ge3A_63, %add3A_61, %mul3A_66 : vector<16xi1>, vector<16xf32>
          %exp3A = math.exp %select_n3A : vector<16xf32>
          %swap3A = arith.index_cast %scan3A_53 : i32 to index
          %swap3A_67 = arith.constant 64 : index
          %swap3A_68 = tpu.vector_load %arg10[%swap3A, %swap3A_67] {strides = array<i32>} : memref<128x128xf32, #tpu.memory_space<vmem>>, vector<1x16xf32>,
          %swap3A_69 = vector.shape_cast %swap3A_68 : vector<1x16xf32> to vector<16xf32>
          %swap3A_70 = vector.shape_cast %exp3A : vector<16xf32> to vector<1x16xf32>
          tpu.vector_store %arg10[%swap3A, %swap3A_67], %swap3A_70 {strides = array<i32>} : memref<128x128xf32, #tpu.memory_space<vmem>>, vector<1x16xf32>,
          %get3A_71 = arith.index_cast %scan3A_53 : i32 to index
          %get3A_72 = arith.constant 0 : index
          %get3A_73 = tpu.vector_load %arg10[%get3A_71, %get3A_72] {strides = array<i32>} : memref<128x128xf32, #tpu.memory_space<vmem>>, vector<1x16xf32>,
          %get3A_74 = vector.shape_cast %get3A_73 : vector<1x16xf32> to vector<16xf32>
          %mul3A_75 = arith.mulf %get3A_74, %exp3A : vector<16xf32>
          %swap3A_76 = arith.index_cast %scan3A_53 : i32 to index
          %swap3A_77 = arith.constant 0 : index
          %swap3A_78 = tpu.vector_load %arg10[%swap3A_76, %swap3A_77] {strides = array<i32>} : memref<128x128xf32, #tpu.memory_space<vmem>>, vector<1x16xf32>,
          %swap3A_79 = vector.shape_cast %swap3A_78 : vector<1x16xf32> to vector<16xf32>
          %swap3A_80 = vector.shape_cast %mul3A_75 : vector<16xf32> to vector<1x16xf32>
          tpu.vector_store %arg10[%swap3A_76, %swap3A_77], %swap3A_80 {strides = array<i32>} : memref<128x128xf32, #tpu.memory_space<vmem>>, vector<1x16xf32>,
          %get3A_81 = arith.index_cast %scan3A_53 : i32 to index
          %get3A_82 = arith.constant 80 : index
          %get3A_83 = tpu.vector_load %arg10[%get3A_81, %get3A_82] {strides = array<i32>} : memref<128x128xf32, #tpu.memory_space<vmem>>, vector<1x16xf32>,
          %get3A_84 = vector.shape_cast %get3A_83 : vector<1x16xf32> to vector<16xf32>
          %get3A_85 = arith.index_cast %scan3A_53 : i32 to index
          %get3A_86 = arith.constant 16 : index
          %get3A_87 = tpu.vector_load %arg11[%get3A_85, %get3A_86] {strides = array<i32>} : memref<128x128xf32, #tpu.memory_space<vmem>>, vector<1x16xf32>,
          %get3A_88 = vector.shape_cast %get3A_87 : vector<1x16xf32> to vector<16xf32>
          %add3A_89 = arith.addf %get3A_84, %get3A_88 : vector<16xf32>
          %ge3A_90 = arith.constant 0.000000e+00 : f32
          %ge3A_91 = vector.broadcast %ge3A_90 : f32 to vector<16xf32>
          %ge3A_92 = arith.cmpf oge, %add3A_89, %ge3A_91 : vector<16xf32>
          %mul3A_93 = arith.constant 2.000000e-01 : f32
          %mul3A_94 = vector.broadcast %mul3A_93 : f32 to vector<16xf32>
          %mul3A_95 = arith.mulf %mul3A_94, %add3A_89 : vector<16xf32>
          %select_n3A_96 = arith.select %ge3A_92, %add3A_89, %mul3A_95 : vector<16xi1>, vector<16xf32>
          %exp3A_97 = math.exp %select_n3A_96 : vector<16xf32>
          %swap3A_98 = arith.index_cast %scan3A_53 : i32 to index
          %swap3A_99 = arith.constant 80 : index
          %swap3A_100 = tpu.vector_load %arg10[%swap3A_98, %swap3A_99] {strides = array<i32>} : memref<128x128xf32, #tpu.memory_space<vmem>>, vector<1x16xf32>,
          %swap3A_101 = vector.shape_cast %swap3A_100 : vector<1x16xf32> to vector<16xf32>
          %swap3A_102 = vector.shape_cast %exp3A_97 : vector<16xf32> to vector<1x16xf32>
          tpu.vector_store %arg10[%swap3A_98, %swap3A_99], %swap3A_102 {strides = array<i32>} : memref<128x128xf32, #tpu.memory_space<vmem>>, vector<1x16xf32>,
          %get3A_103 = arith.index_cast %scan3A_53 : i32 to index
          %get3A_104 = arith.constant 16 : index
          %get3A_105 = tpu.vector_load %arg10[%get3A_103, %get3A_104] {strides = array<i32>} : memref<128x128xf32, #tpu.memory_space<vmem>>, vector<1x16xf32>,
          %get3A_106 = vector.shape_cast %get3A_105 : vector<1x16xf32> to vector<16xf32>
          %mul3A_107 = arith.mulf %get3A_106, %exp3A_97 : vector<16xf32>
          %swap3A_108 = arith.index_cast %scan3A_53 : i32 to index
          %swap3A_109 = arith.constant 16 : index
          %swap3A_110 = tpu.vector_load %arg10[%swap3A_108, %swap3A_109] {strides = array<i32>} : memref<128x128xf32, #tpu.memory_space<vmem>>, vector<1x16xf32>,
          %swap3A_111 = vector.shape_cast %swap3A_110 : vector<1x16xf32> to vector<16xf32>
          %swap3A_112 = vector.shape_cast %mul3A_107 : vector<16xf32> to vector<1x16xf32>
          tpu.vector_store %arg10[%swap3A_108, %swap3A_109], %swap3A_112 {strides = array<i32>} : memref<128x128xf32, #tpu.memory_space<vmem>>, vector<1x16xf32>,
          %get3A_113 = arith.index_cast %scan3A_53 : i32 to index
          %get3A_114 = arith.constant 96 : index
          %get3A_115 = tpu.vector_load %arg10[%get3A_113, %get3A_114] {strides = array<i32>} : memref<128x128xf32, #tpu.memory_space<vmem>>, vector<1x16xf32>,
          %get3A_116 = vector.shape_cast %get3A_115 : vector<1x16xf32> to vector<16xf32>
          %get3A_117 = arith.index_cast %scan3A_53 : i32 to index
          %get3A_118 = arith.constant 32 : index
          %get3A_119 = tpu.vector_load %arg11[%get3A_117, %get3A_118] {strides = array<i32>} : memref<128x128xf32, #tpu.memory_space<vmem>>, vector<1x16xf32>,
          %get3A_120 = vector.shape_cast %get3A_119 : vector<1x16xf32> to vector<16xf32>
          %add3A_121 = arith.addf %get3A_116, %get3A_120 : vector<16xf32>
          %ge3A_122 = arith.constant 0.000000e+00 : f32
          %ge3A_123 = vector.broadcast %ge3A_122 : f32 to vector<16xf32>
          %ge3A_124 = arith.cmpf oge, %add3A_121, %ge3A_123 : vector<16xf32>
          %mul3A_125 = arith.constant 2.000000e-01 : f32
          %mul3A_126 = vector.broadcast %mul3A_125 : f32 to vector<16xf32>
          %mul3A_127 = arith.mulf %mul3A_126, %add3A_121 : vector<16xf32>
          %select_n3A_128 = arith.select %ge3A_124, %add3A_121, %mul3A_127 : vector<16xi1>, vector<16xf32>
          %exp3A_129 = math.exp %select_n3A_128 : vector<16xf32>
          %swap3A_130 = arith.index_cast %scan3A_53 : i32 to index
          %swap3A_131 = arith.constant 96 : index
          %swap3A_132 = tpu.vector_load %arg10[%swap3A_130, %swap3A_131] {strides = array<i32>} : memref<128x128xf32, #tpu.memory_space<vmem>>, vector<1x16xf32>,
          %swap3A_133 = vector.shape_cast %swap3A_132 : vector<1x16xf32> to vector<16xf32>
          %swap3A_134 = vector.shape_cast %exp3A_129 : vector<16xf32> to vector<1x16xf32>
          tpu.vector_store %arg10[%swap3A_130, %swap3A_131], %swap3A_134 {strides = array<i32>} : memref<128x128xf32, #tpu.memory_space<vmem>>, vector<1x16xf32>,
          %get3A_135 = arith.index_cast %scan3A_53 : i32 to index
          %get3A_136 = arith.constant 32 : index
          %get3A_137 = tpu.vector_load %arg10[%get3A_135, %get3A_136] {strides = array<i32>} : memref<128x128xf32, #tpu.memory_space<vmem>>, vector<1x16xf32>,
          %get3A_138 = vector.shape_cast %get3A_137 : vector<1x16xf32> to vector<16xf32>
          %mul3A_139 = arith.mulf %get3A_138, %exp3A_129 : vector<16xf32>
          %swap3A_140 = arith.index_cast %scan3A_53 : i32 to index
          %swap3A_141 = arith.constant 32 : index
          %swap3A_142 = tpu.vector_load %arg10[%swap3A_140, %swap3A_141] {strides = array<i32>} : memref<128x128xf32, #tpu.memory_space<vmem>>, vector<1x16xf32>,
          %swap3A_143 = vector.shape_cast %swap3A_142 : vector<1x16xf32> to vector<16xf32>
          %swap3A_144 = vector.shape_cast %mul3A_139 : vector<16xf32> to vector<1x16xf32>
          tpu.vector_store %arg10[%swap3A_140, %swap3A_141], %swap3A_144 {strides = array<i32>} : memref<128x128xf32, #tpu.memory_space<vmem>>, vector<1x16xf32>,
          %get3A_145 = arith.index_cast %scan3A_53 : i32 to index
          %get3A_146 = arith.constant 112 : index
          %get3A_147 = tpu.vector_load %arg10[%get3A_145, %get3A_146] {strides = array<i32>} : memref<128x128xf32, #tpu.memory_space<vmem>>, vector<1x16xf32>,
          %get3A_148 = vector.shape_cast %get3A_147 : vector<1x16xf32> to vector<16xf32>
          %get3A_149 = arith.index_cast %scan3A_53 : i32 to index
          %get3A_150 = arith.constant 48 : index
          %get3A_151 = tpu.vector_load %arg11[%get3A_149, %get3A_150] {strides = array<i32>} : memref<128x128xf32, #tpu.memory_space<vmem>>, vector<1x16xf32>,
          %get3A_152 = vector.shape_cast %get3A_151 : vector<1x16xf32> to vector<16xf32>
          %add3A_153 = arith.addf %get3A_148, %get3A_152 : vector<16xf32>
          %ge3A_154 = arith.constant 0.000000e+00 : f32
          %ge3A_155 = vector.broadcast %ge3A_154 : f32 to vector<16xf32>
          %ge3A_156 = arith.cmpf oge, %add3A_153, %ge3A_155 : vector<16xf32>
          %mul3A_157 = arith.constant 2.000000e-01 : f32
          %mul3A_158 = vector.broadcast %mul3A_157 : f32 to vector<16xf32>
          %mul3A_159 = arith.mulf %mul3A_158, %add3A_153 : vector<16xf32>
          %select_n3A_160 = arith.select %ge3A_156, %add3A_153, %mul3A_159 : vector<16xi1>, vector<16xf32>
          %exp3A_161 = math.exp %select_n3A_160 : vector<16xf32>
          %swap3A_162 = arith.index_cast %scan3A_53 : i32 to index
          %swap3A_163 = arith.constant 112 : index
          %swap3A_164 = tpu.vector_load %arg10[%swap3A_162, %swap3A_163] {strides = array<i32>} : memref<128x128xf32, #tpu.memory_space<vmem>>, vector<1x16xf32>,
          %swap3A_165 = vector.shape_cast %swap3A_164 : vector<1x16xf32> to vector<16xf32>
          %swap3A_166 = vector.shape_cast %exp3A_161 : vector<16xf32> to vector<1x16xf32>
          tpu.vector_store %arg10[%swap3A_162, %swap3A_163], %swap3A_166 {strides = array<i32>} : memref<128x128xf32, #tpu.memory_space<vmem>>, vector<1x16xf32>,
          %get3A_167 = arith.index_cast %scan3A_53 : i32 to index
          %get3A_168 = arith.constant 48 : index
          %get3A_169 = tpu.vector_load %arg10[%get3A_167, %get3A_168] {strides = array<i32>} : memref<128x128xf32, #tpu.memory_space<vmem>>, vector<1x16xf32>,
          %get3A_170 = vector.shape_cast %get3A_169 : vector<1x16xf32> to vector<16xf32>
          %mul3A_171 = arith.mulf %get3A_170, %exp3A_161 : vector<16xf32>
          %swap3A_172 = arith.index_cast %scan3A_53 : i32 to index
          %swap3A_173 = arith.constant 48 : index
          %swap3A_174 = tpu.vector_load %arg10[%swap3A_172, %swap3A_173] {strides = array<i32>} : memref<128x128xf32, #tpu.memory_space<vmem>>, vector<1x16xf32>,
          %swap3A_175 = vector.shape_cast %swap3A_174 : vector<1x16xf32> to vector<16xf32>
          %swap3A_176 = vector.shape_cast %mul3A_171 : vector<16xf32> to vector<1x16xf32>
          tpu.vector_store %arg10[%swap3A_172, %swap3A_173], %swap3A_176 {strides = array<i32>} : memref<128x128xf32, #tpu.memory_space<vmem>>, vector<1x16xf32>,
        }
        %scan3A_52 = arith.constant 128 : i32
        "tpu.region"() ({
          %run_scoped3A = tpu.sem_alloc : memref<!tpu.dma_semaphore, #tpu.memory_space<semaphore_mem>>
          %dma_start3A_53 = arith.constant 0 : i32
          %dma_start3A_54 = tpu.memref_slice %arg9[%scan3A_24, %dma_start3A_53] : memref<8x128xi32, #tpu.memory_space<vmem>> -> memref<1x128xi32, #tpu.memory_space<vmem>>
          %dma_start3A_55 = tpu.memref_squeeze %dma_start3A_54 : memref<1x128xi32, #tpu.memory_space<vmem>> -> memref<128xi32, #tpu.memory_space<vmem>>
          %dma_start3A_56 = arith.constant 0 : i32
          %dma_start3A_57 = arith.constant 0 : i32
          %dma_start3A_58 = tpu.memref_slice %arg12[%dma_start3A_56, %dma_start3A_57] : memref<10240x128xf32, #tpu.memory_space<vmem_shared>> -> memref<10240x128xf32, #tpu.memory_space<vmem_shared>>
          tpu.enqueue_indirect_dma source(%arg10 : memref<128x128xf32, #tpu.memory_space<vmem>>) target(%dma_start3A_58 : memref<10240x128xf32, #tpu.memory_space<vmem_shared>>) offsets(%dma_start3A_55 : memref<128xi32, #tpu.memory_space<vmem>>) semaphore(%run_scoped3A : memref<!tpu.dma_semaphore, #tpu.memory_space<semaphore_mem>>) {add = true}
          %dma_wait3A_59 = arith.constant 0 : i32
          %dma_wait3A_60 = tpu.memref_slice %arg9[%scan3A_24, %dma_wait3A_59] : memref<8x128xi32, #tpu.memory_space<vmem>> -> memref<1x128xi32, #tpu.memory_space<vmem>>
          %dma_wait3A_61 = tpu.memref_squeeze %dma_wait3A_60 : memref<1x128xi32, #tpu.memory_space<vmem>> -> memref<128xi32, #tpu.memory_space<vmem>>
          %dma_wait3A_62 = arith.constant 0 : i32
          %dma_wait3A_63 = arith.constant 0 : i32
          %dma_wait3A_64 = tpu.memref_slice %arg12[%dma_wait3A_62, %dma_wait3A_63] : memref<10240x128xf32, #tpu.memory_space<vmem_shared>> -> memref<10240x128xf32, #tpu.memory_space<vmem_shared>>
          tpu.wait_indirect_dma semaphore(%run_scoped3A : memref<!tpu.dma_semaphore, #tpu.memory_space<semaphore_mem>>) src(%arg10 : memref<128x128xf32, #tpu.memory_space<vmem>>) dst(%dma_wait3A_64 : memref<10240x128xf32, #tpu.memory_space<vmem_shared>>)
          tpu.yield
        }) : () -> ()
      }
      %scan3A_23 = arith.constant 8 : i32
    }
    %scan3A_9 = arith.constant 10 : i32
    %barrier3A_10 = arith.constant 0 : index
    tpu.barrier barrier_id(%barrier3A_10)
    "tpu.region"() ({
      %run_scoped3A = tpu.sem_alloc : memref<!tpu.dma_semaphore, #tpu.memory_space<semaphore_mem>>
      %dma_start3A = arith.constant 0 : i32
      %dma_start3A_11 = tpu.memref_slice %arg7[%arg0, %mul3A_2, %dma_start3A] : memref<2x10240x128xf32, #tpu.memory_space<hbm>> -> memref<1x640x128xf32, #tpu.memory_space<hbm>>
      %dma_start3A_12 = tpu.memref_squeeze %dma_start3A_11 : memref<1x640x128xf32, #tpu.memory_space<hbm>> -> memref<640x128xf32, #tpu.memory_space<hbm>>
      %dma_start3A_13 = arith.constant 0 : i32
      %dma_start3A_14 = tpu.memref_slice %arg12[%mul3A_2, %dma_start3A_13] : memref<10240x128xf32, #tpu.memory_space<vmem_shared>> -> memref<640x128xf32, #tpu.memory_space<vmem_shared>>
      tpu.enqueue_dma source(%dma_start3A_14 : memref<640x128xf32, #tpu.memory_space<vmem_shared>>) target(%dma_start3A_12 : memref<640x128xf32, #tpu.memory_space<hbm>>) target_semaphore(%run_scoped3A : memref<!tpu.dma_semaphore, #tpu.memory_space<semaphore_mem>>)
      %dma_wait3A = arith.constant 0 : i32
      %dma_wait3A_15 = tpu.memref_slice %arg7[%arg0, %mul3A_2, %dma_wait3A] : memref<2x10240x128xf32, #tpu.memory_space<hbm>> -> memref<1x640x128xf32, #tpu.memory_space<hbm>>
      %dma_wait3A_16 = tpu.memref_squeeze %dma_wait3A_15 : memref<1x640x128xf32, #tpu.memory_space<hbm>> -> memref<640x128xf32, #tpu.memory_space<hbm>>
      %dma_wait3A_17 = arith.constant 0 : i32
      %dma_wait3A_18 = tpu.memref_slice %arg12[%mul3A_2, %dma_wait3A_17] : memref<10240x128xf32, #tpu.memory_space<vmem_shared>> -> memref<640x128xf32, #tpu.memory_space<vmem_shared>>
      tpu.wait_dma2 semaphore(%run_scoped3A : memref<!tpu.dma_semaphore, #tpu.memory_space<semaphore_mem>>) src(%dma_wait3A_18 : memref<640x128xf32, #tpu.memory_space<vmem_shared>>) dst(%dma_wait3A_16 : memref<640x128xf32, #tpu.memory_space<hbm>>)
      tpu.yield
    }) : () -> ()
    return
  }
}

module attributes {stable_mosaic.version = 14 : i64} {
  func.func @_prep_body(%arg0: i32, %arg1: memref<512x128xf32, #tpu.memory_space<vmem>>, %arg2: memref<128x64xf32, #tpu.memory_space<vmem>>, %arg3: memref<64x64xf32, #tpu.memory_space<vmem>>, %arg4: memref<64x64xf32, #tpu.memory_space<vmem>>, %arg5: memref<512x128xf32, #tpu.memory_space<vmem>>, %arg6: memref<512x128xf32, #tpu.memory_space<vmem>>, %arg7: memref<512x128xf32, #tpu.memory_space<vmem>>) attributes {dimension_semantics = [#tpu.dimension_semantics<arbitrary>], iteration_bounds = array<i64: 20>, scalar_prefetch = 0 : i64, scratch_operands = 0 : i64, tpu.core_type = #tpu.core_type<tc>, window_params = [{transform_indices = @transform_0, window_bounds = array<i64: 512, 128>}, {pipeline_mode = #tpu.pipeline_mode<synchronous>, transform_indices = @transform_1, window_bounds = array<i64: 128, 64>}, {pipeline_mode = #tpu.pipeline_mode<synchronous>, transform_indices = @transform_2, window_bounds = array<i64: 64, 64>}, {pipeline_mode = #tpu.pipeline_mode<synchronous>, transform_indices = @transform_3, window_bounds = array<i64: 64, 64>}, {transform_indices = @transform_4, window_bounds = array<i64: 512, 128>}, {transform_indices = @transform_5, window_bounds = array<i64: 512, 128>}, {transform_indices = @transform_6, window_bounds = array<i64: 512, 128>}]} {
    %get3A = arith.constant 0 : index
    %get3A_0 = arith.constant 0 : index
    %get3A_1 = vector.load %arg1[%get3A, %get3A_0] : memref<512x128xf32, #tpu.memory_space<vmem>>, vector<512x128xf32>
    %get3A_2 = arith.constant 0 : index
    %get3A_3 = arith.constant 0 : index
    %get3A_4 = vector.load %arg2[%get3A_2, %get3A_3] : memref<128x64xf32, #tpu.memory_space<vmem>>, vector<128x64xf32>
    %dot_general3A = arith.constant dense<0.000000e+00> : vector<512x64xf32>
    %dot_general3A_5 = tpu.matmul %get3A_1, %get3A_4, %dot_general3A {dimension_numbers = #tpu.dot_dimension_numbers<[1], [0], [0], [1], [0, 0, 1, 1], [], []>, transpose_lhs_hint = false} : vector<512x128xf32>, vector<128x64xf32>, vector<512x64xf32> -> vector<512x64xf32>
    %get3A_6 = arith.constant 0 : index
    %get3A_7 = arith.constant 0 : index
    %get3A_8 = vector.load %arg3[%get3A_6, %get3A_7] : memref<64x64xf32, #tpu.memory_space<vmem>>, vector<64x64xf32>
    %dot_general3A_9 = arith.constant dense<0.000000e+00> : vector<512x64xf32>
    %dot_general3A_10 = tpu.matmul %dot_general3A_5, %get3A_8, %dot_general3A_9 {dimension_numbers = #tpu.dot_dimension_numbers<[1], [0], [0], [1], [0, 0, 1, 1], [], []>, transpose_lhs_hint = false} : vector<512x64xf32>, vector<64x64xf32>, vector<512x64xf32> -> vector<512x64xf32>
    %get3A_11 = arith.constant 0 : index
    %get3A_12 = arith.constant 0 : index
    %get3A_13 = vector.load %arg4[%get3A_11, %get3A_12] : memref<64x64xf32, #tpu.memory_space<vmem>>, vector<64x64xf32>
    %dot_general3A_14 = arith.constant dense<0.000000e+00> : vector<512x64xf32>
    %dot_general3A_15 = tpu.matmul %dot_general3A_5, %get3A_13, %dot_general3A_14 {dimension_numbers = #tpu.dot_dimension_numbers<[1], [0], [0], [1], [0, 0, 1, 1], [], []>, transpose_lhs_hint = false} : vector<512x64xf32>, vector<64x64xf32>, vector<512x64xf32> -> vector<512x64xf32>
    %add3A = arith.addf %dot_general3A_10, %dot_general3A_15 : vector<512x64xf32>
    %ge3A = arith.constant 0.000000e+00 : f32
    %ge3A_16 = vector.broadcast %ge3A : f32 to vector<512x64xf32>
    %ge3A_17 = arith.cmpf oge, %add3A, %ge3A_16 : vector<512x64xf32>
    %mul3A = arith.constant 2.000000e-01 : f32
    %mul3A_18 = vector.broadcast %mul3A : f32 to vector<512x64xf32>
    %mul3A_19 = arith.mulf %mul3A_18, %add3A : vector<512x64xf32>
    %select_n3A = arith.select %ge3A_17, %add3A, %mul3A_19 : vector<512x64xi1>, vector<512x64xf32>
    %exp3A = math.exp %select_n3A : vector<512x64xf32>
    %swap3A = arith.constant 0 : index
    %swap3A_20 = arith.constant 0 : index
    %swap3A_21 = vector.load %arg5[%swap3A, %swap3A_20] : memref<512x128xf32, #tpu.memory_space<vmem>>, vector<512x64xf32>
    tpu.vector_store %arg5[%swap3A, %swap3A_20], %dot_general3A_5 {strides = array<i32>} : memref<512x128xf32, #tpu.memory_space<vmem>>, vector<512x64xf32>,
    %swap3A_22 = arith.constant 0 : index
    %swap3A_23 = arith.constant 64 : index
    %swap3A_24 = vector.load %arg5[%swap3A_22, %swap3A_23] : memref<512x128xf32, #tpu.memory_space<vmem>>, vector<512x64xf32>
    tpu.vector_store %arg5[%swap3A_22, %swap3A_23], %dot_general3A_10 {strides = array<i32>} : memref<512x128xf32, #tpu.memory_space<vmem>>, vector<512x64xf32>,
    %swap3A_25 = arith.constant 0 : index
    %swap3A_26 = arith.constant 0 : index
    %swap3A_27 = vector.load %arg6[%swap3A_25, %swap3A_26] : memref<512x128xf32, #tpu.memory_space<vmem>>, vector<512x64xf32>
    tpu.vector_store %arg6[%swap3A_25, %swap3A_26], %dot_general3A_15 {strides = array<i32>} : memref<512x128xf32, #tpu.memory_space<vmem>>, vector<512x64xf32>,
    %broadcast_in_dim3A = arith.constant 0.000000e+00 : f32
    %broadcast_in_dim3A_28 = vector.broadcast %broadcast_in_dim3A : f32 to vector<512x64xf32>
    %swap3A_29 = arith.constant 0 : index
    %swap3A_30 = arith.constant 64 : index
    %swap3A_31 = vector.load %arg6[%swap3A_29, %swap3A_30] : memref<512x128xf32, #tpu.memory_space<vmem>>, vector<512x64xf32>
    tpu.vector_store %arg6[%swap3A_29, %swap3A_30], %broadcast_in_dim3A_28 {strides = array<i32>} : memref<512x128xf32, #tpu.memory_space<vmem>>, vector<512x64xf32>,
    %mul3A_32 = arith.constant 5.000000e-01 : f32
    %mul3A_33 = vector.broadcast %mul3A_32 : f32 to vector<512x64xf32>
    %mul3A_34 = arith.mulf %mul3A_33, %exp3A : vector<512x64xf32>
    %mul3A_35 = arith.mulf %mul3A_34, %dot_general3A_5 : vector<512x64xf32>
    %swap3A_36 = arith.constant 0 : index
    %swap3A_37 = arith.constant 0 : index
    %swap3A_38 = vector.load %arg7[%swap3A_36, %swap3A_37] : memref<512x128xf32, #tpu.memory_space<vmem>>, vector<512x64xf32>
    tpu.vector_store %arg7[%swap3A_36, %swap3A_37], %mul3A_35 {strides = array<i32>} : memref<512x128xf32, #tpu.memory_space<vmem>>, vector<512x64xf32>,
    %mul3A_39 = arith.constant 5.000000e-01 : f32
    %mul3A_40 = vector.broadcast %mul3A_39 : f32 to vector<512x64xf32>
    %mul3A_41 = arith.mulf %mul3A_40, %exp3A : vector<512x64xf32>
    %swap3A_42 = arith.constant 0 : index
    %swap3A_43 = arith.constant 64 : index
    %swap3A_44 = vector.load %arg7[%swap3A_42, %swap3A_43] : memref<512x128xf32, #tpu.memory_space<vmem>>, vector<512x64xf32>
    tpu.vector_store %arg7[%swap3A_42, %swap3A_43], %mul3A_41 {strides = array<i32>} : memref<512x128xf32, #tpu.memory_space<vmem>>, vector<512x64xf32>,
    return
  }
  func.func @transform_0(%arg0: i32) -> (i32, i32) {
    %c0_i32 = arith.constant 0 : i32
    %c0_i32_0 = arith.constant 0 : i32
    return %arg0, %c0_i32 : i32, i32
  }
  func.func @transform_1(%arg0: i32) -> (i32, i32) {
    %c0_i32 = arith.constant 0 : i32
    %c0_i32_0 = arith.constant 0 : i32
    %c0_i32_1 = arith.constant 0 : i32
    return %c0_i32, %c0_i32_0 : i32, i32
  }
  func.func @transform_2(%arg0: i32) -> (i32, i32) {
    %c0_i32 = arith.constant 0 : i32
    %c0_i32_0 = arith.constant 0 : i32
    %c0_i32_1 = arith.constant 0 : i32
    return %c0_i32, %c0_i32_0 : i32, i32
  }
  func.func @transform_3(%arg0: i32) -> (i32, i32) {
    %c0_i32 = arith.constant 0 : i32
    %c0_i32_0 = arith.constant 0 : i32
    %c0_i32_1 = arith.constant 0 : i32
    return %c0_i32, %c0_i32_0 : i32, i32
  }
  func.func @transform_4(%arg0: i32) -> (i32, i32) {
    %c0_i32 = arith.constant 0 : i32
    %c0_i32_0 = arith.constant 0 : i32
    return %arg0, %c0_i32 : i32, i32
  }
  func.func @transform_5(%arg0: i32) -> (i32, i32) {
    %c0_i32 = arith.constant 0 : i32
    %c0_i32_0 = arith.constant 0 : i32
    return %arg0, %c0_i32 : i32, i32
  }
  func.func @transform_6(%arg0: i32) -> (i32, i32) {
    %c0_i32 = arith.constant 0 : i32
    %c0_i32_0 = arith.constant 0 : i32
    return %arg0, %c0_i32 : i32, i32
  }
}

module attributes {stable_mosaic.version = 14 : i64} {
  func.func @_pool_body(%arg0: i32, %arg1: memref<2x400x128xf32, #tpu.memory_space<vmem>>, %arg2: memref<1x64xf32, #tpu.memory_space<vmem>>, %arg3: memref<400x1xi32, #tpu.memory_space<vmem>>, %arg4: memref<400x64xf32, #tpu.memory_space<vmem>>, %arg5: memref<64x64xf32, #tpu.memory_space<vmem>>, %arg6: memref<64x1xf32, #tpu.memory_space<vmem>>) attributes {dimension_semantics = [#tpu.dimension_semantics<arbitrary>], iteration_bounds = array<i64: 25>, scalar_prefetch = 0 : i64, scratch_operands = 0 : i64, tpu.core_type = #tpu.core_type<tc>, window_params = [{transform_indices = @transform_0, window_bounds = array<i64: 2, 400, 128>}, {pipeline_mode = #tpu.pipeline_mode<synchronous>, transform_indices = @transform_1, window_bounds = array<i64: 1, 64>}, {transform_indices = @transform_2, window_bounds = array<i64: 400, 1>}, {transform_indices = @transform_3, window_bounds = array<i64: 400, 64>}, {pipeline_mode = #tpu.pipeline_mode<synchronous>, transform_indices = @transform_4, window_bounds = array<i64: 64, 64>}, {pipeline_mode = #tpu.pipeline_mode<synchronous>, transform_indices = @transform_5, window_bounds = array<i64: 64, 1>}]} {
    %get3A = arith.constant 0 : index
    %get3A_0 = arith.constant 0 : index
    %get3A_1 = arith.constant 0 : index
    %get3A_2 = vector.load %arg1[%get3A, %get3A_0, %get3A_1] : memref<2x400x128xf32, #tpu.memory_space<vmem>>, vector<1x400x128xf32>
    %get3A_3 = vector.shape_cast %get3A_2 : vector<1x400x128xf32> to vector<400x128xf32>
    %get3A_4 = arith.constant 1 : index
    %get3A_5 = arith.constant 0 : index
    %get3A_6 = arith.constant 0 : index
    %get3A_7 = vector.load %arg1[%get3A_4, %get3A_5, %get3A_6] : memref<2x400x128xf32, #tpu.memory_space<vmem>>, vector<1x400x128xf32>
    %get3A_8 = vector.shape_cast %get3A_7 : vector<1x400x128xf32> to vector<400x128xf32>
    %add3A = arith.addf %get3A_3, %get3A_8 : vector<400x128xf32>
    %slice3A = vector.extract_strided_slice %add3A {offsets = [0, 0], sizes = [400, 64], strides = [1, 1]} : vector<400x128xf32> to vector<400x64xf32>
    %slice3A_9 = vector.extract_strided_slice %add3A {offsets = [0, 64], sizes = [400, 64], strides = [1, 1]} : vector<400x128xf32> to vector<400x64xf32>
    %div3A = arith.divf %slice3A, %slice3A_9 : vector<400x64xf32>
    %get3A_10 = arith.constant 0 : index
    %get3A_11 = arith.constant 0 : index
    %get3A_12 = vector.load %arg2[%get3A_10, %get3A_11] : memref<1x64xf32, #tpu.memory_space<vmem>>, vector<1x64xf32>
    %add3A_13 = vector.broadcast %get3A_12 : vector<1x64xf32> to vector<400x64xf32>
    %add3A_14 = arith.addf %div3A, %add3A_13 : vector<400x64xf32>
    %gt3A = arith.constant 0.000000e+00 : f32
    %gt3A_15 = vector.broadcast %gt3A : f32 to vector<400x64xf32>
    %gt3A_16 = arith.cmpf ogt, %add3A_14, %gt3A_15 : vector<400x64xf32>
    %min3A = arith.constant 0.000000e+00 : f32
    %min3A_17 = vector.broadcast %min3A : f32 to vector<400x64xf32>
    %min3A_18 = arith.minimumf %add3A_14, %min3A_17 : vector<400x64xf32>
    %exp3A = math.exp %min3A_18 : vector<400x64xf32>
    %sub3A = arith.constant 1.000000e+00 : f32
    %sub3A_19 = vector.broadcast %sub3A : f32 to vector<400x64xf32>
    %sub3A_20 = arith.subf %exp3A, %sub3A_19 : vector<400x64xf32>
    %select_n3A = arith.select %gt3A_16, %add3A_14, %sub3A_20 : vector<400x64xi1>, vector<400x64xf32>
    %swap3A = arith.constant 0 : index
    %swap3A_21 = arith.constant 0 : index
    %swap3A_22 = vector.load %arg4[%swap3A, %swap3A_21] : memref<400x64xf32, #tpu.memory_space<vmem>>, vector<400x64xf32>
    tpu.vector_store %arg4[%swap3A, %swap3A_21], %select_n3A {strides = array<i32>} : memref<400x64xf32, #tpu.memory_space<vmem>>, vector<400x64xf32>,
    %iota3A = tpu.iota {dimensions = array<i32: 1>} : vector<1x64xi32>
    %get3A_23 = arith.constant 0 : index
    %get3A_24 = arith.constant 0 : index
    %get3A_25 = vector.load %arg3[%get3A_23, %get3A_24] : memref<400x1xi32, #tpu.memory_space<vmem>>, vector<400x1xi32>
    %eq3A = vector.broadcast %get3A_25 : vector<400x1xi32> to vector<400x64xi32>
    %eq3A_26 = vector.broadcast %iota3A : vector<1x64xi32> to vector<400x64xi32>
    %eq3A_27 = arith.cmpi eq, %eq3A, %eq3A_26 : vector<400x64xi32>
    %convert_element_type3A = arith.extui %eq3A_27 : vector<400x64xi1> to vector<400x64xi32>
    %convert_element_type3A_28 = arith.sitofp %convert_element_type3A : vector<400x64xi32> to vector<400x64xf32>
    %dot_general3A = arith.constant dense<0.000000e+00> : vector<64x64xf32>
    %dot_general3A_29 = tpu.matmul %convert_element_type3A_28, %select_n3A, %dot_general3A {dimension_numbers = #tpu.dot_dimension_numbers<[0], [0], [1], [1], [0, 1, 1, 1], [], []>, transpose_lhs_hint = false} : vector<400x64xf32>, vector<400x64xf32>, vector<64x64xf32> -> vector<64x64xf32>
    %broadcast_in_dim3A = arith.constant 1.000000e+00 : f32
    %broadcast_in_dim3A_30 = vector.broadcast %broadcast_in_dim3A : f32 to vector<400x1xf32>
    %dot_general3A_31 = arith.constant dense<0.000000e+00> : vector<64x1xf32>
    %dot_general3A_32 = tpu.matmul %convert_element_type3A_28, %broadcast_in_dim3A_30, %dot_general3A_31 {dimension_numbers = #tpu.dot_dimension_numbers<[0], [0], [1], [1], [0, 1, 1, 1], [], []>, transpose_lhs_hint = false} : vector<400x64xf32>, vector<400x1xf32>, vector<64x1xf32> -> vector<64x1xf32>
    %eq3A_33 = arith.constant 0 : i32
    %eq3A_34 = arith.cmpi eq, %arg0, %eq3A_33 : i32
    %convert_element_type3A_35 = arith.extui %eq3A_34 : i1 to i32
    %cond3A = arith.constant 0 : i32
    %cond3A_36 = arith.cmpi ne, %convert_element_type3A_35, %cond3A : i32
    scf.if %cond3A_36 {
      %swap3A_42 = arith.constant 0 : index
      %swap3A_43 = arith.constant 0 : index
      %swap3A_44 = vector.load %arg5[%swap3A_42, %swap3A_43] : memref<64x64xf32, #tpu.memory_space<vmem>>, vector<64x64xf32>
      tpu.vector_store %arg5[%swap3A_42, %swap3A_43], %dot_general3A_29 {strides = array<i32>} : memref<64x64xf32, #tpu.memory_space<vmem>>, vector<64x64xf32>,
      %swap3A_45 = arith.constant 0 : index
      %swap3A_46 = arith.constant 0 : index
      %swap3A_47 = vector.load %arg6[%swap3A_45, %swap3A_46] : memref<64x1xf32, #tpu.memory_space<vmem>>, vector<64x1xf32>
      tpu.vector_store %arg6[%swap3A_45, %swap3A_46], %dot_general3A_32 {strides = array<i32>} : memref<64x1xf32, #tpu.memory_space<vmem>>, vector<64x1xf32>,
    } else {
    }
    %gt3A_37 = arith.constant 0 : i32
    %gt3A_38 = arith.cmpi sgt, %arg0, %gt3A_37 : i32
    %convert_element_type3A_39 = arith.extui %gt3A_38 : i1 to i32
    %cond3A_40 = arith.constant 0 : i32
    %cond3A_41 = arith.cmpi ne, %convert_element_type3A_39, %cond3A_40 : i32
    scf.if %cond3A_41 {
      %get3A_42 = arith.constant 0 : index
      %get3A_43 = arith.constant 0 : index
      %get3A_44 = vector.load %arg5[%get3A_42, %get3A_43] : memref<64x64xf32, #tpu.memory_space<vmem>>, vector<64x64xf32>
      %add3A_45 = arith.addf %get3A_44, %dot_general3A_29 : vector<64x64xf32>
      %swap3A_46 = arith.constant 0 : index
      %swap3A_47 = arith.constant 0 : index
      %swap3A_48 = vector.load %arg5[%swap3A_46, %swap3A_47] : memref<64x64xf32, #tpu.memory_space<vmem>>, vector<64x64xf32>
      tpu.vector_store %arg5[%swap3A_46, %swap3A_47], %add3A_45 {strides = array<i32>} : memref<64x64xf32, #tpu.memory_space<vmem>>, vector<64x64xf32>,
      %get3A_49 = arith.constant 0 : index
      %get3A_50 = arith.constant 0 : index
      %get3A_51 = vector.load %arg6[%get3A_49, %get3A_50] : memref<64x1xf32, #tpu.memory_space<vmem>>, vector<64x1xf32>
      %add3A_52 = arith.addf %get3A_51, %dot_general3A_32 : vector<64x1xf32>
      %swap3A_53 = arith.constant 0 : index
      %swap3A_54 = arith.constant 0 : index
      %swap3A_55 = vector.load %arg6[%swap3A_53, %swap3A_54] : memref<64x1xf32, #tpu.memory_space<vmem>>, vector<64x1xf32>
      tpu.vector_store %arg6[%swap3A_53, %swap3A_54], %add3A_52 {strides = array<i32>} : memref<64x1xf32, #tpu.memory_space<vmem>>, vector<64x1xf32>,
    } else {
    }
    return
  }
  func.func @transform_0(%arg0: i32) -> (i32, i32, i32) {
    %c0_i32 = arith.constant 0 : i32
    %c0_i32_0 = arith.constant 0 : i32
    %c0_i32_1 = arith.constant 0 : i32
    return %c0_i32, %arg0, %c0_i32_0 : i32, i32, i32
  }
  func.func @transform_1(%arg0: i32) -> (i32, i32) {
    %c0_i32 = arith.constant 0 : i32
    %c0_i32_0 = arith.constant 0 : i32
    %c0_i32_1 = arith.constant 0 : i32
    return %c0_i32, %c0_i32_0 : i32, i32
  }
  func.func @transform_2(%arg0: i32) -> (i32, i32) {
    %c0_i32 = arith.constant 0 : i32
    %c0_i32_0 = arith.constant 0 : i32
    return %arg0, %c0_i32 : i32, i32
  }
  func.func @transform_3(%arg0: i32) -> (i32, i32) {
    %c0_i32 = arith.constant 0 : i32
    %c0_i32_0 = arith.constant 0 : i32
    return %arg0, %c0_i32 : i32, i32
  }
  func.func @transform_4(%arg0: i32) -> (i32, i32) {
    %c0_i32 = arith.constant 0 : i32
    %c0_i32_0 = arith.constant 0 : i32
    %c0_i32_1 = arith.constant 0 : i32
    return %c0_i32, %c0_i32_0 : i32, i32
  }
  func.func @transform_5(%arg0: i32) -> (i32, i32) {
    %c0_i32 = arith.constant 0 : i32
    %c0_i32_0 = arith.constant 0 : i32
    %c0_i32_1 = arith.constant 0 : i32
    return %c0_i32, %c0_i32_0 : i32, i32
  }
}

module attributes {stable_mosaic.version = 14 : i64} {
  func.func @_dec_body(%arg0: i32, %arg1: memref<400x64xf32, #tpu.memory_space<vmem>>, %arg2: memref<400x1xi32, #tpu.memory_space<vmem>>, %arg3: memref<64x64xf32, #tpu.memory_space<vmem>>, %arg4: memref<64x1xf32, #tpu.memory_space<vmem>>, %arg5: memref<64x128xf32, #tpu.memory_space<vmem>>, %arg6: memref<64x128xf32, #tpu.memory_space<vmem>>, %arg7: memref<1x128xf32, #tpu.memory_space<vmem>>, %arg8: memref<128x1xf32, #tpu.memory_space<vmem>>, %arg9: memref<1x1xf32, #tpu.memory_space<vmem>>, %arg10: memref<400x1xf32, #tpu.memory_space<vmem>>, %arg11: memref<64x64xf32, #tpu.memory_space<vmem>>) attributes {dimension_semantics = [#tpu.dimension_semantics<arbitrary>], iteration_bounds = array<i64: 25>, scalar_prefetch = 0 : i64, scratch_operands = 0 : i64, tpu.core_type = #tpu.core_type<tc>, window_params = [{transform_indices = @transform_0, window_bounds = array<i64: 400, 64>}, {transform_indices = @transform_1, window_bounds = array<i64: 400, 1>}, {pipeline_mode = #tpu.pipeline_mode<synchronous>, transform_indices = @transform_2, window_bounds = array<i64: 64, 64>}, {pipeline_mode = #tpu.pipeline_mode<synchronous>, transform_indices = @transform_3, window_bounds = array<i64: 64, 1>}, {pipeline_mode = #tpu.pipeline_mode<synchronous>, transform_indices = @transform_4, window_bounds = array<i64: 64, 128>}, {pipeline_mode = #tpu.pipeline_mode<synchronous>, transform_indices = @transform_5, window_bounds = array<i64: 64, 128>}, {pipeline_mode = #tpu.pipeline_mode<synchronous>, transform_indices = @transform_6, window_bounds = array<i64: 1, 128>}, {pipeline_mode = #tpu.pipeline_mode<synchronous>, transform_indices = @transform_7, window_bounds = array<i64: 128, 1>}, {pipeline_mode = #tpu.pipeline_mode<synchronous>, transform_indices = @transform_8, window_bounds = array<i64: 1, 1>}, {transform_indices = @transform_9, window_bounds = array<i64: 400, 1>}, {pipeline_mode = #tpu.pipeline_mode<synchronous>, transform_indices = @transform_10, window_bounds = array<i64: 64, 64>}]} {
    %get3A = arith.constant 0 : index
    %get3A_0 = arith.constant 0 : index
    %get3A_1 = vector.load %arg3[%get3A, %get3A_0] : memref<64x64xf32, #tpu.memory_space<vmem>>, vector<64x64xf32>
    %get3A_2 = arith.constant 0 : index
    %get3A_3 = arith.constant 0 : index
    %get3A_4 = vector.load %arg4[%get3A_2, %get3A_3] : memref<64x1xf32, #tpu.memory_space<vmem>>, vector<64x1xf32>
    %max3A = arith.constant 1.000000e+00 : f32
    %max3A_5 = vector.broadcast %max3A : f32 to vector<64x1xf32>
    %max3A_6 = arith.maximumf %get3A_4, %max3A_5 : vector<64x1xf32>
    %div3A = vector.broadcast %max3A_6 : vector<64x1xf32> to vector<64x64xf32>
    %div3A_7 = arith.divf %get3A_1, %div3A : vector<64x64xf32>
    %eq3A = arith.constant 0 : i32
    %eq3A_8 = arith.cmpi eq, %arg0, %eq3A : i32
    %convert_element_type3A = arith.extui %eq3A_8 : i1 to i32
    %cond3A = arith.constant 0 : i32
    %cond3A_9 = arith.cmpi ne, %convert_element_type3A, %cond3A : i32
    scf.if %cond3A_9 {
      %swap3A_52 = arith.constant 0 : index
      %swap3A_53 = arith.constant 0 : index
      %swap3A_54 = vector.load %arg11[%swap3A_52, %swap3A_53] : memref<64x64xf32, #tpu.memory_space<vmem>>, vector<64x64xf32>
      tpu.vector_store %arg11[%swap3A_52, %swap3A_53], %div3A_7 {strides = array<i32>} : memref<64x64xf32, #tpu.memory_space<vmem>>, vector<64x64xf32>,
    } else {
    }
    %iota3A = tpu.iota {dimensions = array<i32: 1>} : vector<1x64xi32>
    %get3A_10 = arith.constant 0 : index
    %get3A_11 = arith.constant 0 : index
    %get3A_12 = vector.load %arg2[%get3A_10, %get3A_11] : memref<400x1xi32, #tpu.memory_space<vmem>>, vector<400x1xi32>
    %eq3A_13 = vector.broadcast %get3A_12 : vector<400x1xi32> to vector<400x64xi32>
    %eq3A_14 = vector.broadcast %iota3A : vector<1x64xi32> to vector<400x64xi32>
    %eq3A_15 = arith.cmpi eq, %eq3A_13, %eq3A_14 : vector<400x64xi32>
    %convert_element_type3A_16 = arith.extui %eq3A_15 : vector<400x64xi1> to vector<400x64xi32>
    %convert_element_type3A_17 = arith.sitofp %convert_element_type3A_16 : vector<400x64xi32> to vector<400x64xf32>
    %dot_general3A = arith.constant dense<0.000000e+00> : vector<400x64xf32>
    %dot_general3A_18 = tpu.matmul %convert_element_type3A_17, %div3A_7, %dot_general3A {dimension_numbers = #tpu.dot_dimension_numbers<[1], [0], [0], [1], [0, 0, 1, 1], [], []>, transpose_lhs_hint = false} : vector<400x64xf32>, vector<64x64xf32>, vector<400x64xf32> -> vector<400x64xf32>
    %get3A_19 = arith.constant 0 : index
    %get3A_20 = arith.constant 0 : index
    %get3A_21 = vector.load %arg1[%get3A_19, %get3A_20] : memref<400x64xf32, #tpu.memory_space<vmem>>, vector<400x64xf32>
    %get3A_22 = arith.constant 0 : index
    %get3A_23 = arith.constant 0 : index
    %get3A_24 = vector.load %arg5[%get3A_22, %get3A_23] : memref<64x128xf32, #tpu.memory_space<vmem>>, vector<64x128xf32>
    %dot_general3A_25 = arith.constant dense<0.000000e+00> : vector<400x128xf32>
    %dot_general3A_26 = tpu.matmul %get3A_21, %get3A_24, %dot_general3A_25 {dimension_numbers = #tpu.dot_dimension_numbers<[1], [0], [0], [1], [0, 0, 1, 1], [], []>, transpose_lhs_hint = false} : vector<400x64xf32>, vector<64x128xf32>, vector<400x128xf32> -> vector<400x128xf32>
    %get3A_27 = arith.constant 0 : index
    %get3A_28 = arith.constant 0 : index
    %get3A_29 = vector.load %arg6[%get3A_27, %get3A_28] : memref<64x128xf32, #tpu.memory_space<vmem>>, vector<64x128xf32>
    %dot_general3A_30 = arith.constant dense<0.000000e+00> : vector<400x128xf32>
    %dot_general3A_31 = tpu.matmul %dot_general3A_18, %get3A_29, %dot_general3A_30 {dimension_numbers = #tpu.dot_dimension_numbers<[1], [0], [0], [1], [0, 0, 1, 1], [], []>, transpose_lhs_hint = false} : vector<400x64xf32>, vector<64x128xf32>, vector<400x128xf32> -> vector<400x128xf32>
    %add3A = arith.addf %dot_general3A_26, %dot_general3A_31 : vector<400x128xf32>
    %get3A_32 = arith.constant 0 : index
    %get3A_33 = arith.constant 0 : index
    %get3A_34 = vector.load %arg7[%get3A_32, %get3A_33] : memref<1x128xf32, #tpu.memory_space<vmem>>, vector<1x128xf32>
    %add3A_35 = vector.broadcast %get3A_34 : vector<1x128xf32> to vector<400x128xf32>
    %add3A_36 = arith.addf %add3A, %add3A_35 : vector<400x128xf32>
    %max3A_37 = arith.constant 0.000000e+00 : f32
    %max3A_38 = vector.broadcast %max3A_37 : f32 to vector<400x128xf32>
    %max3A_39 = arith.maximumf %add3A_36, %max3A_38 : vector<400x128xf32>
    %get3A_40 = arith.constant 0 : index
    %get3A_41 = arith.constant 0 : index
    %get3A_42 = vector.load %arg8[%get3A_40, %get3A_41] : memref<128x1xf32, #tpu.memory_space<vmem>>, vector<128x1xf32>
    %dot_general3A_43 = arith.constant dense<0.000000e+00> : vector<400x1xf32>
    %dot_general3A_44 = tpu.matmul %max3A_39, %get3A_42, %dot_general3A_43 {dimension_numbers = #tpu.dot_dimension_numbers<[1], [0], [0], [1], [0, 0, 1, 1], [], []>, transpose_lhs_hint = false} : vector<400x128xf32>, vector<128x1xf32>, vector<400x1xf32> -> vector<400x1xf32>
    %get3A_45 = arith.constant 0 : index
    %get3A_46 = arith.constant 0 : index
    %get3A_47 = vector.load %arg9[%get3A_45, %get3A_46] : memref<1x1xf32, #tpu.memory_space<vmem>>, vector<1x1xf32>
    %add3A_48 = vector.broadcast %get3A_47 : vector<1x1xf32> to vector<400x1xf32>
    %add3A_49 = arith.addf %dot_general3A_44, %add3A_48 : vector<400x1xf32>
    %swap3A = arith.constant 0 : index
    %swap3A_50 = arith.constant 0 : index
    %swap3A_51 = vector.load %arg10[%swap3A, %swap3A_50] : memref<400x1xf32, #tpu.memory_space<vmem>>, vector<400x1xf32>
    tpu.vector_store %arg10[%swap3A, %swap3A_50], %add3A_49 {strides = array<i32>} : memref<400x1xf32, #tpu.memory_space<vmem>>, vector<400x1xf32>,
    return
  }
  func.func @transform_0(%arg0: i32) -> (i32, i32) {
    %c0_i32 = arith.constant 0 : i32
    %c0_i32_0 = arith.constant 0 : i32
    return %arg0, %c0_i32 : i32, i32
  }
  func.func @transform_1(%arg0: i32) -> (i32, i32) {
    %c0_i32 = arith.constant 0 : i32
    %c0_i32_0 = arith.constant 0 : i32
    return %arg0, %c0_i32 : i32, i32
  }
  func.func @transform_2(%arg0: i32) -> (i32, i32) {
    %c0_i32 = arith.constant 0 : i32
    %c0_i32_0 = arith.constant 0 : i32
    %c0_i32_1 = arith.constant 0 : i32
    return %c0_i32, %c0_i32_0 : i32, i32
  }
  func.func @transform_3(%arg0: i32) -> (i32, i32) {
    %c0_i32 = arith.constant 0 : i32
    %c0_i32_0 = arith.constant 0 : i32
    %c0_i32_1 = arith.constant 0 : i32
    return %c0_i32, %c0_i32_0 : i32, i32
  }
  func.func @transform_4(%arg0: i32) -> (i32, i32) {
    %c0_i32 = arith.constant 0 : i32
    %c0_i32_0 = arith.constant 0 : i32
    %c0_i32_1 = arith.constant 0 : i32
    return %c0_i32, %c0_i32_0 : i32, i32
  }
  func.func @transform_5(%arg0: i32) -> (i32, i32) {
    %c0_i32 = arith.constant 0 : i32
    %c0_i32_0 = arith.constant 0 : i32
    %c0_i32_1 = arith.constant 0 : i32
    return %c0_i32, %c0_i32_0 : i32, i32
  }
  func.func @transform_6(%arg0: i32) -> (i32, i32) {
    %c0_i32 = arith.constant 0 : i32
    %c0_i32_0 = arith.constant 0 : i32
    %c0_i32_1 = arith.constant 0 : i32
    return %c0_i32, %c0_i32_0 : i32, i32
  }
  func.func @transform_7(%arg0: i32) -> (i32, i32) {
    %c0_i32 = arith.constant 0 : i32
    %c0_i32_0 = arith.constant 0 : i32
    %c0_i32_1 = arith.constant 0 : i32
    return %c0_i32, %c0_i32_0 : i32, i32
  }
  func.func @transform_8(%arg0: i32) -> (i32, i32) {
    %c0_i32 = arith.constant 0 : i32
    %c0_i32_0 = arith.constant 0 : i32
    %c0_i32_1 = arith.constant 0 : i32
    return %c0_i32, %c0_i32_0 : i32, i32
  }
  func.func @transform_9(%arg0: i32) -> (i32, i32) {
    %c0_i32 = arith.constant 0 : i32
    %c0_i32_0 = arith.constant 0 : i32
    return %arg0, %c0_i32 : i32, i32
  }
  func.func @transform_10(%arg0: i32) -> (i32, i32) {
    %c0_i32 = arith.constant 0 : i32
    %c0_i32_0 = arith.constant 0 : i32
    %c0_i32_1 = arith.constant 0 : i32
    return %c0_i32, %c0_i32_0 : i32, i32
  }
}

</mosaic_0001>

<sc_bundles>
// kernel: kernel.6.cloned.1.call-start
scs
__scs_entry_jumppad:
0x0: {  	(pc) =	sbr.rel $0x88, $3  }
0x1: {  	(tag) =	ssettag $0x0;
	lr =	simm.s32 $0x1  }
0x2: {  	[smem:$0x3F96] =	sst lr;
	_ =	strace $0xD0000000  }
0x3: {  	_ = 	snop  }
0x4: {  	_ = 	snop  }
0x5: {  	_ = 	snop  }
0x6: {  	_ = 	snop  }
0x7: {  	_ = 	snop  }
__scs_overlays_trampoline_lowered:
0x8: {  	[smem:$0x3FA5] =	sst s0  }
0x9: {  	[smem:$0x3FA6] =	sst s1  }
0xa: {  	[smem:$0x3FA7] =	sst s2  }
0xb: {  	[smem:$0x3FA8] =	sst s3  }
0xc: {  	[smem:$0x3FA9] =	sst s4  }
0xd: {  	[smem:$0x3FAA] =	sst s5  }
0xe: {  	[smem:$0x3FAB] =	sst s6  }
0xf: {  	[smem:$0x3FAC] =	sst s7  }
0x10: {  	[smem:$0x3FAD] =	sst s8  }
0x11: {  	[smem:$0x3FAE] =	sst s9;
	s0 =	simm.s32 @!p0 $0x0  }
0x12: {  	s1 =	sld [smem:$0x3F94];
	s0 =	simm.s32 @p0 $0x1  }
0x13: {  	[smem:$0x3FAF] =	sst s0;
	s0 =	simm.s32 @!p1 $0x0  }
0x14: {  	s2 =	sld [smem:$0x3F93];
	s0 =	simm.s32 @p1 $0x1  }
0x15: {  	[smem:$0x3FB0] =	sst s0;
	s0 =	simm.s32 @!p2 $0x0  }
0x16: {  	s3 =	sld [smem:$0x3FDB];
	s0 =	simm.s32 @p2 $0x1  }
0x17: {  	s4 =	simm.s32 $0x1BF5;
	[smem:$0x3FB2] =	sst s0  }
0x18: {  	s0 =	sld [smem:$0x3F95];
	_ =	swait.ge [sflag:s4], $0x0  }
0x19: {  	s7 =	sld [smem:$0x3F96]  }
0x1a: {  	s8 =	sadd.s32 $0xFFFFE003, lr  }
0x1b: {  	s9 =	sadd.s32 $0xFFFFFEF7, lr;
	s5 =	simm.s32 $0xFFFFFFFF;
	p2 =	slt.u32 s8, $0xFFFFF086  }
0x1c: {  	p1 =	slt.u32 s9, $0xF7A;
	s5 =	simm.s32 @!p2 $0x0  }
0x1d: {  	s5 =	simm.s32 @p1 $0x1;
	p0 =	seq.s32 s7, s2  }
0x1e: {  	s7 =	smul.u32 @!p0 $0xF7A, s2;
	p2 =	seq.s32 @!p0 s5, $0x0  }
0x1f: {  	s9 =	smul.u32 $0xF7A, s1;
	s8 =	simm.s32 @!p0 $0x1BF5;
	p2 =	por !p2, p0  }
0x20: {  	[sflag:s8] =	ssyncset.s32 @!p0 $0xFFFFF086;
	s6 =	sadd.s32 @!p0 s3, s7;
	s7 =	simm.s32 @!p0 $0x108  }
0x21: {  	s3 =	sadd.s32 s3, s9;
	s6 =	sadd.s32 @!p0 $0x88, s6;
	s7 =	simm.s32 @p2 $0x1082  }
0x22: {  	[simem:s7], [sflag:s8] =	dma.local @!p0 [hbm:s6], $0xF7A  }
0x23: {  	s9 =	sor.u32 $0xD0000000, s2;
	s6 =	simm.s32 $0x108;
	_ =	swait.ge @!p0 [sflag:s8], $0x0  }
0x24: {  	s3 =	sadd.s32 $0x88, s3;
	s6 =	simm.s32 @!p1 $0x1082;
	[sflag:s4] =	ssyncset.s32 $0xFFFFF086  }
0x25: {  	[simem:s6], [sflag:s4] =	dma.local [hbm:s3], $0xF7A  }
0x26: {  	[smem:$0x3F96] =	sst s1;
	(tag) =	ssettag s2;
	_ =	strace s9  }
0x27: {  	s1 =	sld [smem:$0x3FA6]  }
0x28: {  	s2 =	sld [smem:$0x3FA7]  }
0x29: {  	s4 =	sld [smem:$0x3FA9]  }
0x2a: {  	p0 =	seq.s32 s5, $0x0;
	s5 =	sld [smem:$0x3FAA]  }
0x2b: {  	s6 =	sld [smem:$0x3FAB]  }
0x2c: {  	s7 =	sld [smem:$0x3FAC]  }
0x2d: {  	s3 =	simm.s32 $0x108;
	s8 =	sld [smem:$0x3FAD]  }
0x2e: {  	s3 =	simm.s32 @!p0 $0x1082;
	s9 =	sld [smem:$0x3FAE]  }
0x2f: {  	lr =	sadd.s32 s0, s3;
	s0 =	sld [smem:$0x3FA5]  }
0x30: {  	s3 =	sld [smem:$0x3FA8]  }
0x31: {  	[smem:$0x3FB1] =	sst s10  }
0x32: {  	s10 =	sld [smem:$0x3FAF];
	_ =	sdelay $0x3  }
0x33: {  	p0 =	seq.s32 s10, $0x1;
	s10 =	sld [smem:$0x3FB1];
	_ =	sdelay $0x3  }
0x34: {  	[smem:$0x3FB1] =	sst s10  }
0x35: {  	s10 =	sld [smem:$0x3FB0];
	_ =	sdelay $0x3  }
0x36: {  	p1 =	seq.s32 s10, $0x1;
	s10 =	sld [smem:$0x3FB1];
	_ =	sdelay $0x3  }
0x37: {  	[smem:$0x3FB1] =	sst s10  }
0x38: {  	s10 =	sld [smem:$0x3FB2]  }
0x39: {  	_ = 	snop;
	(pc) =	sbr.ind lr, $3  }
0x3a: {  	_ = 	snop  }
0x3b: {  	_ = 	snop  }
0x3c: {  	p2 =	seq.s32 s10, $0x1;
	s10 =	sld [smem:$0x3FB1]  }
0x3d: {  	_ =	shalt  }
0x3e: {  	_ =	shalt  }
0x3f: {  	_ =	shalt  }
0x40: {  	_ =	shalt  }
0x41: {  	_ =	shalt  }
0x42: {  	_ =	shalt  }
0x43: {  	_ =	shalt  }
0x44: {  	_ =	shalt  }
0x45: {  	_ =	shalt  }
0x46: {  	_ =	shalt  }
0x47: {  	_ =	shalt  }
0x48: {  	_ =	shalt  }
0x49: {  	_ =	shalt  }
0x4a: {  	_ =	shalt  }
0x4b: {  	_ =	shalt  }
0x4c: {  	_ =	shalt  }
0x4d: {  	_ =	shalt  }
0x4e: {  	_ =	shalt  }
0x4f: {  	_ =	shalt  }
0x50: {  	_ =	shalt  }
0x51: {  	_ =	shalt  }
0x52: {  	_ =	shalt  }
0x53: {  	_ =	shalt  }
0x54: {  	_ =	shalt  }
0x55: {  	_ =	shalt  }
0x56: {  	_ =	shalt  }
0x57: {  	_ =	shalt  }
0x58: {  	_ =	shalt  }
0x59: {  	_ =	shalt  }
0x5a: {  	_ =	shalt  }
0x5b: {  	_ =	shalt  }
0x5c: {  	_ =	shalt  }
0x5d: {  	_ =	shalt  }
0x5e: {  	_ =	shalt  }
0x5f: {  	_ =	shalt  }
0x60: {  	_ =	shalt  }
0x61: {  	_ =	shalt  }
0x62: {  	_ =	shalt  }
0x63: {  	_ =	shalt  }
0x64: {  	_ =	shalt  }
0x65: {  	_ =	shalt  }
0x66: {  	_ =	shalt  }
0x67: {  	_ =	shalt  }
0x68: {  	_ =	shalt  }
0x69: {  	_ =	shalt  }
0x6a: {  	_ =	shalt  }
0x6b: {  	_ =	shalt  }
0x6c: {  	_ =	shalt  }
0x6d: {  	_ =	shalt  }
0x6e: {  	_ =	shalt  }
0x6f: {  	_ =	shalt  }
0x70: {  	_ =	shalt  }
0x71: {  	_ =	shalt  }
0x72: {  	_ =	shalt  }
0x73: {  	_ =	shalt  }
0x74: {  	_ =	shalt  }
0x75: {  	_ =	shalt  }
0x76: {  	_ =	shalt  }
0x77: {  	_ =	shalt  }
0x78: {  	_ =	shalt  }
0x79: {  	_ =	shalt  }
0x7a: {  	_ =	shalt  }
0x7b: {  	_ =	shalt  }
0x7c: {  	_ =	shalt  }
0x7d: {  	_ =	shalt  }
0x7e: {  	_ =	shalt  }
0x7f: {  	_ =	shalt  }
0x80: {  	_ =	shalt  }
0x81: {  	_ =	shalt  }
0x82: {  	_ =	shalt  }
0x83: {  	_ =	shalt  }
0x84: {  	_ =	shalt  }
0x85: {  	_ =	shalt  }
0x86: {  	_ =	shalt  }
0x87: {  	_ =	shalt  }
.Lfunc_end0:
.L_simem_size_0:
called_computation_lowered:
.L_overlay_start_0:
0x88: {  	s2 =	sld [smem:$0x3FD9]  }
0x89: {  	s3 =	sld [smem:$0x3FFE];
	_ =	sdelay $0x1  }
0x8a: {  	s1 =	srdreg.scid  }
0x8b: {  	s0 =	sand.u32 $0x1, s1  }
0x8c: {  	s16 =	sshll.u32 s0, $0xA;
	s2 =	sadd.s32 s3, s2  }
0x8d: {  	s2 =	sadd.s32 s2, s16  }
0x8e: {  	[smem:$0x3FBD] =	sst s2  }
0x8f: {  	_ = 	snop  }
0x90: {  	(tm) =	ssettm $0x1  }
0x91: {  	s17 =	sld [smem:$0x3FFB];
	_ =	sdelay $0x3  }
0x92: {  	_ =	strace s17  }
0x93: {  	s2 =	sld [smem:$0x3FFC];
	_ =	sdelay $0x3  }
0x94: {  	_ =	strace s2  }
0x95: {  	s2 =	sld [smem:$0x3FFD];
	_ =	sdelay $0x3  }
0x96: {  	_ =	strace s2  }
0x97: {  	_ =	strace $0x8FFFFFFF  }
0x98: {  	s18 =	sld [smem:$0x3FDB];
	_ =	sdelay $0x1  }
0x99: {  	s19 =	simm.s32 $_scs_section_size  }
0x9a: {  	s4 =	simm.s32 $_size__tile_overlayer_lowered;
	s5 =	simm.s32 $_tile_overlayer_lowered  }
0x9b: {  	s22 =	simm.s32 $0x1BFF;
	s21 =	sshll.u32 s5, $0x1;
	s2 =	sadd.s32 s19, s18  }
0x9c: {  	s6 =	simm.s32 $0x0;
	s20 =	sshll.u32 s4, $0x1;
	s4 =	sadd.s32 s21, s2  }
0x9d: {  	[timem:s6], [sflag:s22] =	dma.local [hbm:s4], s20  }
0x9e: {  	_ =	swait.ge [sflag:s22], s20  }
0x9f: {  	s3 =	ssub.s32 $0x0, s20;
	[sflag:s22] =	ssyncset.done $0x0  }
0xa0: {  	[sflag:s22] =	ssyncadd.s32 s3;
	_ =	sdelay $0x1  }
0xa1: {  	s23 =	simm.s32 $0x1B8B  }
0xa2: {  	_ =	swait.ge [sflag:s23], $0x1  }
0xa3: {  	[sflag:s23] =	ssyncset.done $0x0  }
0xa4: {  	s25 =	simm.s32 $0x1B8E;
	s24 =	sld [smem:$0x3FFE];
	[sflag:s23] =	ssyncadd.s32 $0xFFFFFFFF  }
0xa5: {  	s26 =	simm.s32 $execute0_lowered;
	[smem:$0x3FD2] =	sst s25  }
0xa6: {  	s4 =	sshll.u32 s26, $0x1;
	_ =	strace $0x80000046;
	[dreg:$0x1] =	wrdreg $0xFFFFFFFF  }
0xa7: {  	s28 =	simm.s32 $_size_execute0_lowered;
	s2 =	sadd.s32 s2, s4;
	[dreg:$0x0] =	wrdreg $0x0  }
0xa8: {  	s4 =	sshll.u32 s28, $0x1;
	[dreg:$0x2] =	wrdreg s2  }
0xa9: {  	[dreg:$0x3] =	wrdreg s4  }
0xaa: {  	[dreg:$0x4] =	wrdreg $0xC0  }
0xab: {  	_ =	task [dreg:s6], $0x5FFFF  }
0xac: {  	[dreg:$0x1] =	wrdreg $0xFFFFFFFF  }
0xad: {  	[dreg:$0x0] =	wrdreg $0x60  }
0xae: {  	[dreg:$0x2] =	wrdreg s24  }
0xaf: {  	[dreg:$0x3] =	wrdreg $0x88000  }
0xb0: {  	[dreg:$0x4] =	wrdreg $0x9  }
0xb1: {  	_ =	task.clear_ibuf [dreg:s6], $0x5FFFF;
	_ =	strace $0x90000046  }
0xb2: {  	s29 =	simm.s32 $0x9;
	_ =	strace $0x80000048  }
0xb3: {  	_ =	swait.ge [sflag:s29], $0x1  }
0xb4: {  	[sflag:s29] =	ssyncadd.s32 $0xFFFFFFFF  }
0xb5: {  	_ =	strace $0x90000048  }
0xb6: {  	_ =	sfence  }
0xb7: {  	s30 =	sld [smem:$0x0];
	_ =	sdelay $0x2  }
0xb8: {  	s31 =	sshll.u32 s1, $0xD;
	s1 =	sshrl.u32 s1, $0x2  }
0xb9: {  	s3 =	sand.u32 $0x4000, s31;
	s1 =	sadd.s32 s1, s30  }
0xba: {  	s0 =	sor.u32 s3, s0;
	s1 =	sshll.u32 s1, $0x11  }
0xbb: {  	s0 =	sor.u32 s1, s0  }
0xbc: {  	s0 =	sadd.s32 $0x8F2B, s0  }
0xbd: {  	[sflag:s0] =	ssyncadd.remote.s32 $0x1  }
0xbe: {  	_ =	sfence.sel $0xFFFF  }
0xbf: {  	[dreg:$0x0] =	wrdreg $0xFFFFFFFF;
	(pc) =	sbr.abs _section_cstart, $3  }
0xc0: {  	[dreg:$0x1] =	wrdreg $0xFFFFFFFF  }
0xc1: {  	_ =	task.clear_ibuf [dreg:s6], $0x2FFFF;
	_ =	strace $0x9FFFFFFF  }
0xc2: {  	(tm) =	ssettm $0x7FFFFFFF  }
0xc3: {  	_ =	shalt  }
tec
execute0_lowered:
.L_overlay_start_1:
0x0: {  	(tag) =	ssettag $0x1  }
0x1: {  	s8 =	rddreg [dreg:$0x0]  }
0x2: {  	s2 =	rddreg [dreg:$0x1]  }
0x3: {  	s0 =	rddreg [dreg:$0x2]  }
0x4: {  	s3 =	simm.s32 $0x0;
	s1 =	stileid.u32;
	s4 =	srdreg.scid  }
0x5: {  	s16 =	simm.s32 $0x80;
	s17 =	simm.s32 $0x800;
	s18 =	simm.s32 $0x4800  }
0x6: {  	s19 =	simm.s32 $0x1;
	s20 =	simm.s32 $0x2;
	[smem:$0x7FF] =	sst s3  }
0x7: {  	s9 =	smul.u32 $0x14000, s1;
	s10 =	sand.u32 $0x1, s4;
	s4 =	sadd.s32 $0x15400, s8  }
0x8: {  	s5 =	sadd.s32 $0x3D400, s8;
	s6 =	sadd.s32 $0xB400, s8;
	s7 =	sadd.s32 $0x1400, s8  }
0x9: {  	s13 =	smul.u32 $0x50000, s1;
	s29 =	sshll.u32 s1, $0x1;
	s31 =	sshll.u32 s1, $0x6  }
0xa: {  	_ =	strace $0x80000047;
	s11 =	smul.u32 $0x140000, s10;
	s26 =	ssub.s32 $0x2, s10  }
0xb: {  	s10 =	sor.u32 s10, s29;
	s12 =	sshrl.u32 s9, $0x3;
	s28 =	sshrl.u32 s26, $0x1  }
0xc: {  	s30 =	sshrl.u32 s13, $0x2;
	s10 =	smul.u32 $0xA, s10;
	s9 =	sadd.s32 s9, s11  }
0xd: {  	s12 =	sadd.s32 s12, s8;
	s13 =	sadd.s32 s30, s2;
	s9 =	sshrl.u32 s9, $0x3  }
0xe: {  	s15 =	ssub.s32 s26, s28;
	s13 =	sshrl.u32 s13, $0x3;
	s14 =	sadd.s32 s9, s8  }
0xf: {  	s8 =	sadd.s32 $0x65400, s12;
	s9 =	sor.u32 $0x1C03, s31;
	s12 =	smax.u32 s15, $0x1  }
0x10: {  	s15 =	simm.s32 $0x400;
	s11 =	sadd.s32 $0x8D400, s14;
	s14 =	simm.s32 $0x3  }
.LBB2_1:
0x11: {  	[spmem:s13], [sflag:s9] =	dma.local [hbm:s8], $0x2800  }
0x12: {  	_ =	swait.ge [sflag:s14], $0x2800  }
0x13: {  	[sflag:s14] =	ssyncset.done $0x0  }
0x14: {  	[sflag:s14] =	ssyncadd.s32 $0xFFFFD800  }
0x15: {  	s21 =	simm.s32 $0x0;
	[bflag:$0x0] =	sbarrier.arrive $0xFFFF  }
.LBB2_2:
0x16: {  	s22 =	sadd.s32 s10, s21  }
0x17: {  	s23 =	sshll.u32 s22, $0x7  }
0x18: {  	s22 =	simm.s32 $0x0;
	s24 =	sadd.s32 s6, s23  }
0x19: {  	[tilespmem:s22], [sflag:$0x3] =	stream.linear.gather [hbm4b:s24+s22], $0x400, $0x38;
	[tilespmem:$0x1C800] =	vst v63  }
0x1a: {  	_ =	swait.ge [sflag:s14], $0x400  }
0x1b: {  	[sflag:s14] =	ssyncset.done $0x0  }
0x1c: {  	s23 =	sadd.s32 s7, s23;
	[sflag:s14] =	ssyncadd.s32 $0xFFFFFC00  }
0x1d: {  	[tilespmem:s15], [sflag:$0x3] =	stream.linear.gather [hbm4b:s23+s22], $0x400, $0x38;
	[tilespmem:$0x1C800] =	vst v63  }
0x1e: {  	_ =	swait.ge [sflag:s14], $0x400  }
0x1f: {  	[sflag:s14] =	ssyncset.done $0x0  }
0x20: {  	[sflag:s14] =	ssyncadd.s32 $0xFFFFFC00  }
.LBB2_3:
0x21: {  	s23 =	sshll.u32 s22, $0x7  }
0x22: {  	[tilespmem:s17], [sflag:$0x1] =	stream.indirect.gather [hbm4b:s4+s16], $0x80, s23, s16, $0xb8;
	[tilespmem:$0x1C800] =	vst v63  }
0x23: {  	s23 =	sadd.s32 $0x400, s23  }
0x24: {  	[tilespmem:s18], [sflag:$0x2] =	stream.indirect.gather [hbm4b:s5+s16], $0x80, s23, s16, $0xb8;
	[tilespmem:$0x1C800] =	vst v63  }
0x25: {  	_ =	swait.ge [sflag:s19], $0x4000  }
0x26: {  	[sflag:s19] =	ssyncset.done $0x0  }
0x27: {  	[sflag:s19] =	ssyncadd.s32 $0xFFFFC000  }
0x28: {  	_ =	swait.ge [sflag:s20], $0x4000  }
0x29: {  	[sflag:s20] =	ssyncset.done $0x0  }
0x2a: {  	s24 =	simm.s32 $0x0;
	[sflag:s20] =	ssyncadd.s32 $0xFFFFC000  }
0x2b: {  	v0 =	vld [tilespmem:s24+$0x4820]  }
0x2c: {  	v1 =	vld [tilespmem:s24+$0x860];
	_ =	sdelay $0x4  }
0x2d: {  	v2 =	vld [tilespmem:s24+$0x4800];
	v0 =	vadd.f32 v0, v1  }
0x2e: {  	v3 =	vld [tilespmem:s24+$0x850]  }
0x2f: {  	v1 =	vld [tilespmem:s24+$0x4810];
	v4 =	vmul.f32 $2.000000030e-01, v0  }
0x30: {  	v5 =	vld [tilespmem:s24+$0x840];
	vm0 =	vge.f32 v0, $0.0e+00  }
0x31: {  	v6 =	vld [tilespmem:s24+$0x4830];
	v0 =	vsel vm0, v0, v4  }
0x32: {  	v4 =	vld [tilespmem:s24+$0x870];
	v0 =	vmul.f32 $1.442695020e+00, v0;
	_ =	sdelay $0x1  }
0x33: {  	(erf) = vpow2.f32 v0;
	v0 =	vadd.f32 v1, v3  }
0x34: {  	v1 =	vadd.f32 v2, v5  }
0x35: {  	v2 =	vmul.f32 $2.000000030e-01, v0  }
0x36: {  	v3 =	vadd.f32 v6, v4;
	vm14 =	vge.f32 v0, $0.0e+00;
	v4 =	vmul.f32 $2.000000030e-01, v1  }
0x37: {  	vm1 =	vge.f32 v1, $0.0e+00;
	v2 =	vsel vm14, v0, v2  }
0x38: {  	v5 =	vmul.f32 $2.000000030e-01, v3;
	v1 =	vsel vm1, v1, v4;
	v2 =	vmul.f32 $1.442695020e+00, v2  }
0x39: {  	vm15 =	vge.f32 v3, $0.0e+00;
	v4 =	vmul.f32 $1.442695020e+00, v1  }
0x3a: {  	v1 =	vsel vm15, v3, v5;
	(erf) = vpow2.f32 v2  }
0x3b: {  	v6 =	vld [tilespmem:s24+$0x820];
	v5 =	vmul.f32 $1.442695020e+00, v1;
	(erf) = vpow2.f32 v4;
	_ =	sdelay $0x1  }
0x3c: {  	v0 =	vld [tilespmem:s24+$0x830];
	v4 =	vpop (erf);
	(erf) = vpow2.f32 v5  }
0x3d: {  	v3 =	vld [tilespmem:s24+$0x810]  }
0x3e: {  	s25 =	simm.s32 $0x80;
	v1 =	vld [tilespmem:s24+$0x800]  }
0x3f: {  	s26 =	simm.s32 $0x400;
	v2 =	vld [tilespmem:s25+$0x4820];
	[tilespmem:s24+$0x860] =	vst v4;
	v4 =	vmul.f32 v4, v6  }
.LBB2_4:
0x40: {  	p0 =	sne.s32 s26, $0xFE00;
	v5 =	vld [tilespmem:s25+$0x860];
	s28 =	smov.u32 s26;
	s26 =	sadd.s32 $0x200, s26  }
0x41: {  	[tilespmem:s24+$0x820] =	vst v4  }
0x42: {  	v4 =	vld [tilespmem:s25+$0x4800];
	v6 =	vpop (erf)  }
0x43: {  	v7 =	vld [tilespmem:s25+$0x4810];
	[tilespmem:s24+$0x850] =	vst v6;
	v9 =	vmul.f32 v6, v3;
	v6 =	vpop (erf)  }
0x44: {  	v8 =	vld [tilespmem:s25+$0x850];
	[tilespmem:s24+$0x840] =	vst v6;
	v1 =	vmul.f32 v6, v1  }
0x45: {  	v6 =	vld [tilespmem:s25+$0x840];
	v2 =	vadd.f32 v2, v5;
	[tilespmem:s24+$0x810] =	vst v9;
	v3 =	vpop (erf)  }
0x46: {  	v5 =	vld [tilespmem:s25+$0x4830];
	[tilespmem:s24+$0x870] =	vst v3;
	v0 =	vmul.f32 v3, v0  }
0x47: {  	vm0 =	vge.f32 v2, $0.0e+00;
	v3 =	vmul.f32 $2.000000030e-01, v2;
	v9 =	vld [tilespmem:s25+$0x870];
	[tilespmem:s24+$0x800] =	vst v1  }
0x48: {  	[tilespmem:s24+$0x830] =	vst v0;
	s24 =	smov.u32 s25  }
0x49: {  	v1 =	vadd.f32 v7, v8;
	v2 =	vsel vm0, v2, v3;
	v0 =	vld [tilespmem:s24+$0x830]  }
0x4a: {  	v3 =	vadd.f32 v4, v6;
	v2 =	vmul.f32 $1.442695020e+00, v2  }
0x4b: {  	vm0 =	vge.f32 v1, $0.0e+00;
	v4 =	vmul.f32 $2.000000030e-01, v1  }
0x4c: {  	v6 =	vmul.f32 $2.000000030e-01, v3;
	v5 =	vadd.f32 v5, v9;
	(erf) = vpow2.f32 v2  }
0x4d: {  	vm1 =	vge.f32 v3, $0.0e+00;
	v1 =	vsel vm0, v1, v4  }
0x4e: {  	v2 =	vsel vm1, v3, v6;
	v1 =	vmul.f32 $1.442695020e+00, v1;
	v3 =	vmul.f32 $2.000000030e-01, v5  }
0x4f: {  	vm0 =	vge.f32 v5, $0.0e+00;
	v2 =	vmul.f32 $1.442695020e+00, v2  }
0x50: {  	v3 =	vsel vm0, v5, v3;
	(erf) = vpow2.f32 v1  }
0x51: {  	v4 =	vld [tilespmem:s24+$0x820];
	v1 =	vmul.f32 $1.442695020e+00, v3;
	(erf) = vpow2.f32 v2  }
.Ltmp0:
0x52: {  	(pc) =	sbr.rel @p0 .LBB2_4-.Ltmp0, $4  }
0x53: {  	(erf) = vpow2.f32 v1  }
0x54: {  	v3 =	vld [tilespmem:s24+$0x810]  }
0x55: {  	s25 =	sshra.s32 s28, $0x2;
	v1 =	vld [tilespmem:s24+$0x800];
	v5 =	vpop (erf)  }
0x56: {  	v2 =	vld [tilespmem:s25+$0x4820];
	[tilespmem:s24+$0x860] =	vst v5;
	v4 =	vmul.f32 v5, v4  }
0x57: {  	_ = 	snop  }
0x58: {  	v5 =	vld [tilespmem:s25+$0x860];
	[tilespmem:s24+$0x820] =	vst v4  }
0x59: {  	v4 =	vld [tilespmem:s25+$0x4800];
	v6 =	vpop (erf)  }
0x5a: {  	v7 =	vld [tilespmem:s25+$0x4810];
	[tilespmem:s24+$0x850] =	vst v6;
	v8 =	vpop (erf);
	v3 =	vmul.f32 v6, v3  }
0x5b: {  	v9 =	vld [tilespmem:s25+$0x850];
	[tilespmem:s24+$0x840] =	vst v8  }
0x5c: {  	v46 =	vld [tilespmem:s25+$0x840];
	[tilespmem:s24+$0x810] =	vst v3;
	v47 =	vpop (erf)  }
0x5d: {  	v2 =	vadd.f32 v2, v5;
	v10 =	vld [tilespmem:s25+$0x4830];
	[tilespmem:s24+$0x870] =	vst v47  }
0x5e: {  	v48 =	vld [tilespmem:s25+$0x870]  }
0x5f: {  	v11 =	vmul.f32 $2.000000030e-01, v2  }
0x60: {  	vm0 =	vge.f32 v2, $0.0e+00;
	v7 =	vadd.f32 v7, v9  }
0x61: {  	v1 =	vmul.f32 v8, v1;
	v2 =	vsel vm0, v2, v11;
	v4 =	vadd.f32 v4, v46  }
0x62: {  	v2 =	vmul.f32 $1.442695020e+00, v2;
	v49 =	vmul.f32 $2.000000030e-01, v7  }
0x63: {  	vm14 =	vge.f32 v7, $0.0e+00;
	v50 =	vmul.f32 $2.000000030e-01, v4;
	v5 =	vadd.f32 v10, v48  }
0x64: {  	(erf) = vpow2.f32 v2;
	vm1 =	vge.f32 v4, $0.0e+00;
	v51 =	vsel vm14, v7, v49  }
0x65: {  	v4 =	vsel vm1, v4, v50;
	v2 =	vmul.f32 $1.442695020e+00, v51;
	v52 =	vmul.f32 $2.000000030e-01, v5  }
0x66: {  	v0 =	vmul.f32 v47, v0;
	vm15 =	vge.f32 v5, $0.0e+00;
	v53 =	vmul.f32 $1.442695020e+00, v4  }
0x67: {  	[tilespmem:s24+$0x800] =	vst v1;
	v54 =	vsel vm15, v5, v52;
	(erf) = vpow2.f32 v2  }
0x68: {  	[tilespmem:s24+$0x830] =	vst v0;
	v55 =	vmul.f32 $1.442695020e+00, v54;
	(erf) = vpow2.f32 v53  }
0x69: {  	v56 =	vld [tilespmem:s25+$0x820]  }
0x6a: {  	(erf) = vpow2.f32 v55;
	_ =	sdelay $0x1  }
0x6b: {  	v57 =	vld [tilespmem:s25+$0x810]  }
0x6c: {  	v59 =	vpop (erf)  }
0x6d: {  	v60 =	vld [tilespmem:s25+$0x800];
	v1 =	vmul.f32 v59, v56  }
0x6e: {  	v58 =	vld [tilespmem:s25+$0x830];
	[tilespmem:s25+$0x860] =	vst v59  }
0x6f: {  	[tilespmem:s25+$0x820] =	vst v1;
	v61 =	vpop (erf)  }
0x70: {  	[tilespmem:s25+$0x850] =	vst v61;
	v0 =	vmul.f32 v61, v57;
	v62 =	vpop (erf)  }
0x71: {  	[tilespmem:s25+$0x840] =	vst v62  }
0x72: {  	v1 =	vmul.f32 v62, v60;
	[tilespmem:s25+$0x810] =	vst v0;
	v63 =	vpop (erf)  }
0x73: {  	s22 =	sadd.s32 $0x1, s22;
	[tilespmem:s25+$0x870] =	vst v63;
	v0 =	vmul.f32 v63, v58  }
0x74: {  	p0 =	sne.s32 s22, $0x8;
	[tilespmem:s25+$0x800] =	vst v1  }
.Ltmp1:
0x75: {  	[tilespmem:s25+$0x830] =	vst v0;
	(pc) =	sbr.rel @p0 .LBB2_3-.Ltmp1, $4  }
0x76: {  	[spmem:s2] =	stream.indirect.scatter.add.f32 [tilespmem:s17], [sflag:$0x3], $0x80, s23, s16, $0xb8;
	[tilespmem:$0x1C800] =	vst v63  }
0x77: {  	_ =	swait.ge [sflag:s14], $0x4000  }
0x78: {  	[sflag:s14] =	ssyncset.done $0x0  }
0x79: {  	[sflag:s14] =	ssyncadd.s32 $0xFFFFC000  }
0x7a: {  	s21 =	sadd.s32 $0x1, s21  }
0x7b: {  	p0 =	sne.s32 s21, $0xA  }
.Ltmp2:
0x7c: {  	_ = 	snop;
	(pc) =	sbr.rel @p0 .LBB2_2-.Ltmp2, $1  }
0x7d: {  	_ =	sdelay $0x3  }
0x7e: {  	s3 =	sadd.s32 $0x1, s3  }
0x7f: {  	p0 =	sne.s32 s3, s12  }
.Ltmp3:
0x80: {  	[bflag:$0x0] =	sbarrier.arrive $0xFFFF;
	(pc) =	sbr.rel @p0 .LBB2_1-.Ltmp3, $4  }
0x81: {  	[hbm:s11], [sflag:s9] =	dma.local [spmem:s13], $0x2800  }
0x82: {  	_ =	swait.ge [sflag:s14], $0x2800  }
0x83: {  	[sflag:s14] =	ssyncset.done $0x0  }
0x84: {  	[sflag:s14] =	ssyncadd.s32 $0xFFFFD800  }
0x85: {  	_ =	sfence.sel $0x180000  }
0x86: {  	[bflag:$0x0] =	sbarrier.arrive $0xFFFF  }
0x87: {  	p0 =	sne.s32 s1, $0x0;
	_ =	strace $0x90000047  }
0x88: {  	s0 =	sadd.s32 @!p0 $0x100000, s0;
	[bflag:$0x2] =	sbarrier.arrive $0xFFFF  }
0x89: {  	[sflag:s0] =	ssyncadd.tile.s32 @!p0 $0x1;
	_ =	shalt  }
.Lfunc_end2:
_tile_overlayer_lowered:
.L_overlay_start_2:
0x8a: {  	(tag) =	ssettag $0x2  }
0x8b: {  	s0 =	rddreg [dreg:$0x0];
	s2 =	stileid.u32  }
0x8c: {  	s1 =	rddreg [dreg:$0x1];
	p0 =	sne.s32 s2, $0x0  }
0x8d: {  	s3 =	rddreg [dreg:$0x2];
	[bflag:$0x3] =	sbarrier.arrive $0xFFFF;
	s2 =	simm.s32 @!p0 $0x1C03  }
0x8e: {  	[timem:s3], [sflag:s2] =	dma.local @!p0 [hbm:s0], s1  }
0x8f: {  	s0 =	simm.s32 @!p0 $0x3  }
0x90: {  	_ =	swait.ge @!p0 [sflag:s0], s1  }
0x91: {  	s1 =	ssub.s32 @!p0 $0x0, s1;
	[sflag:s0] =	ssyncset.done @!p0 $0x0  }
0x92: {  	[sflag:s0] =	ssyncadd.s32 @!p0 s1  }
0x93: {  	[bflag:$0x3] =	sbarrier.arrive $0xFFFF  }
0x94: {  	_ =	shalt  }

</sc_bundles>
